<compile_context>
chip_gen: v7x
topology: tpu7x:2x2x1
jax: 0.10.2.dev20260603
libtpu: 0.0.44.dev20260713+nightly
codegen_flags: <defaults>
</compile_context>

<pallas_src>
import functools

import jax
import jax.numpy as jnp
from jax import lax
from jax.experimental import pallas as pl
from jax.experimental.pallas import tpu as pltpu
from jax.experimental.pallas import tpu_sc as plsc

E = 32
B = 16384

_BM = 400


def _leaky(z):
    return jnp.where(z >= 0.0, z, 0.01 * z)


def _layer_body(a_ref, x_ref, r_ref, w_ref, b_ref, y_ref):
    p = jnp.dot(a_ref[...], x_ref[...], preferred_element_type=jnp.float32)
    z = (jnp.dot(p, w_ref[...], preferred_element_type=jnp.float32)
         + b_ref[...]
         + jnp.dot(r_ref[...], w_ref[...], preferred_element_type=jnp.float32)
         + b_ref[...])
    y_ref[...] = _leaky(z)


def _layer(adj, x, resid, w, b):
    n, k = adj.shape
    return pl.pallas_call(
        _layer_body,
        grid=(n // _BM,),
        in_specs=[
            pl.BlockSpec((_BM, k), lambda i: (i, 0)),
            pl.BlockSpec((k, E), lambda i: (0, 0)),
            pl.BlockSpec((_BM, E), lambda i: (i, 0)),
            pl.BlockSpec((E, E), lambda i: (0, 0)),
            pl.BlockSpec((1, E), lambda i: (0, 0)),
        ],
        out_specs=pl.BlockSpec((_BM, E), lambda i: (i, 0)),
        out_shape=jax.ShapeDtypeStruct((n, E), jnp.float32),
        compiler_params=pltpu.CompilerParams(
            dimension_semantics=("parallel",),
        ),
    )(adj, x, resid, w, b.reshape(1, E))


def _rne_bf16(v):
    u = plsc.bitcast(v, jnp.uint32)
    u = u + jnp.uint32(0x7FFF) + ((u >> jnp.uint32(16)) & jnp.uint32(1))
    return plsc.bitcast(u & jnp.uint32(0xFFFF0000), jnp.float32)


def _make_gather(nc, ns):
    nw = nc * ns
    bpw = B // nw
    nrow = bpw // 128

    mesh = plsc.VectorSubcoreMesh(core_axis_name="c", subcore_axis_name="s")

    @functools.partial(
        pl.kernel,
        mesh=mesh,
        out_type=(jax.ShapeDtypeStruct((B, E), jnp.float32),
                  jax.ShapeDtypeStruct((B, E), jnp.float32)),
        scratch_types=[
            pltpu.VMEM((nrow, 128), jnp.int32),
            pltpu.VMEM((nrow, 128), jnp.int32),
            pltpu.VMEM((bpw, E), jnp.float32),
            pltpu.VMEM((bpw, E), jnp.float32),
            pltpu.SemaphoreType.DMA,
        ],
        compiler_params=pltpu.CompilerParams(
            needs_layout_passes=False, use_tc_tiling_on_sc=False),
    )
    def gather(u_h, m_h, uid_h, mid_h, uo_h, mo_h,
               uid_v, mid_v, u_v, m_v, sem):
        wid = lax.axis_index("s") * nc + lax.axis_index("c")
        pltpu.sync_copy(uid_h.at[pl.ds(wid * nrow, nrow)], uid_v)
        pltpu.sync_copy(mid_h.at[pl.ds(wid * nrow, nrow)], mid_v)
        copies = []
        for j in range(nrow):
            copies.append(pltpu.async_copy(
                u_h.at[uid_v.at[j]], u_v.at[pl.ds(j * 128, 128)], sem))
            copies.append(pltpu.async_copy(
                m_h.at[mid_v.at[j]], m_v.at[pl.ds(j * 128, 128)], sem))
        for c in copies:
            c.wait()
        pltpu.sync_copy(u_v, uo_h.at[pl.ds(wid * bpw, bpw)])
        pltpu.sync_copy(m_v, mo_h.at[pl.ds(wid * bpw, bpw)])

    return gather


_gather_cache = {}


def _get_gather():
    info = plsc.get_sparse_core_info()
    key = (info.num_cores, info.num_subcores)
    if key not in _gather_cache:
        _gather_cache[key] = _make_gather(*key)
    return _gather_cache[key]


def kernel(user_adj, movie_adj, user_id, movie_id, user_emb, movie_emb,
           Wu0, bu0, Wu1, bu1, Wm0, bm0, Wm1, bm1, Wout, bout):
    uid = user_id.astype(jnp.int32)
    mid = movie_id.astype(jnp.int32)

    wr = Wout.reshape(3, E)
    gather = _get_gather()

    def _rne_host(x):
        u = jax.lax.bitcast_convert_type(x, jnp.uint32)
        u = u + jnp.uint32(0x7FFF) + ((u >> 16) & jnp.uint32(1))
        return jax.lax.bitcast_convert_type(u & jnp.uint32(0xFFFF0000),
                                            jnp.float32)

    def _ro(u, m, w):
        ug, mg = gather(u, m, uid2, mid2)
        return jnp.sum(_rne_host(ug * mg) * _rne_host(w.reshape(1, E)),
                       axis=1)

    uid2 = uid.reshape(B // 128, 128)
    mid2 = mid.reshape(B // 128, 128)
    out0 = _ro(user_emb, movie_emb, wr[0])
    u1 = _layer(user_adj, movie_emb, user_emb, Wu0, bu0)
    m1 = _layer(movie_adj, user_emb, movie_emb, Wm0, bm0)
    out1 = _ro(u1, m1, wr[1])
    u2 = _layer(user_adj, m1, u1, Wu1, bu1)
    m2 = _layer(movie_adj, u1, m1, Wm1, bm1)
    out2 = _ro(u2, m2, wr[2])

    out = out0 + out1 + out2 + bout

    return (out, u2, m2)

# --- scband reference (transcript-rebuilt; emitter-appended) ---
"""Pipeline reference for scband-gccf-52716428591247 (READ-ONLY COPY).

The authoritative reference and input builder live on the scoring server;
editing this copy changes nothing except your own understanding.
"""

import jax, jax.numpy as jnp
import numpy as np

U = 10000
M = 10000
E = 32
L = 2
B = 16384

def _xavier(k, shape):
    fan_in, fan_out = shape[0], shape[1]
    s = (6.0 / (fan_in + fan_out)) ** 0.5
    return jax.random.uniform(k, shape, minval=-s, maxval=s, dtype=jnp.float32)

def setup_inputs(seed: int = 0) -> dict:
    key = jax.random.key(seed)
    ks = jax.random.split(key, 16)
    inp = {}
    inp['user_adj'] = jax.random.uniform(ks[0], (U, M), dtype=jnp.float32)
    inp['movie_adj'] = jax.random.uniform(ks[1], (M, U), dtype=jnp.float32)
    inp['user_id'] = jax.random.randint(ks[2], (B,), 0, U, dtype=jnp.int64) if jax.config.jax_enable_x64 else jax.random.randint(ks[2], (B,), 0, U)
    inp['movie_id'] = jax.random.randint(ks[3], (B,), 0, M)
    inp['user_emb'] = _xavier(ks[4], (U, E))
    inp['movie_emb'] = _xavier(ks[5], (M, E))
    inp['Wu0'] = _xavier(ks[6], (E, E)); inp['bu0'] = jnp.zeros((E,), jnp.float32)
    inp['Wu1'] = _xavier(ks[7], (E, E)); inp['bu1'] = jnp.zeros((E,), jnp.float32)
    inp['Wm0'] = _xavier(ks[8], (E, E)); inp['bm0'] = jnp.zeros((E,), jnp.float32)
    inp['Wm1'] = _xavier(ks[9], (E, E)); inp['bm1'] = jnp.zeros((E,), jnp.float32)
    inp['Wout'] = _xavier(ks[10], ((L + 1) * E, 1)); inp['bout'] = jnp.zeros((1,), jnp.float32)
    return inp

def _leaky(x):
    return jnp.where(x >= 0, x, 0.01 * x)

def reference(user_adj, movie_adj, user_id, movie_id, user_emb, movie_emb, Wu0, bu0, Wu1, bu1, Wm0, bm0, Wm1, bm1, Wout, bout):
    # carry_alpha = 0.0, use_agate = False, dropout = 0.0 (eval)
    ue = [user_emb]
    me = [movie_emb]
    for Wu, bu, Wm, bm in [(Wu0, bu0, Wm0, bm0), (Wu1, bu1, Wm1, bm1)]:
        # torch: user_layer(user_adj @ movie) + user_layer(user) -> bias added twice
        u_new = _leaky((user_adj @ me[-1]) @ Wu + bu + ue[-1] @ Wu + bu)
        m_new = _leaky((movie_adj @ ue[-1]) @ Wm + bm + me[-1] @ Wm + bm)
        ue.append(u_new)
        me.append(m_new)
    inter = jnp.concatenate([jnp.take(u, user_id, axis=0) * jnp.take(m, movie_id, axis=0) for u, m in zip(ue, me)], axis=1)
    output = (inter @ Wout + bout).reshape(-1)
    return (output, ue[-1], me[-1])

if __name__ == "__main__":
    import jax
    _d = setup_inputs()
    print(jax.jit(kernel)(*tuple(_d.values())))

</pallas_src>

<mosaic_0001>
#map = affine_map<(d0, d1) -> (0, 0)>
module attributes {stable_mosaic.version = 14 : i64} {
  func.func @gather(%arg0: i32, %arg1: i32, %arg2: memref<10000x32xf32, #tpu.memory_space<hbm>>, %arg3: memref<10000x32xf32, #tpu.memory_space<hbm>>, %arg4: memref<128x128xi32, #tpu.memory_space<hbm>>, %arg5: memref<128x128xi32, #tpu.memory_space<hbm>>, %arg6: memref<16384x32xf32, #tpu.memory_space<hbm>>, %arg7: memref<16384x32xf32, #tpu.memory_space<hbm>>, %arg8: memref<4x128xi32, #tpu.memory_space<vmem>>, %arg9: memref<4x128xi32, #tpu.memory_space<vmem>>, %arg10: memref<512x32xf32, #tpu.memory_space<vmem>>, %arg11: memref<512x32xf32, #tpu.memory_space<vmem>>, %arg12: memref<!tpu.dma_semaphore, #tpu.memory_space<semaphore_mem>>) attributes {dimension_semantics = [#tpu.dimension_semantics<core_parallel>, #tpu.dimension_semantics<subcore_parallel>], iteration_bounds = array<i64: 2, 16>, scalar_prefetch = 0 : i64, scratch_operands = 5 : i64, tpu.core_type = #tpu.core_type<sc_vector_subcore>, window_params = [{transform_indices = #map}, {transform_indices = #map}, {transform_indices = #map}, {transform_indices = #map}, {transform_indices = #map}, {transform_indices = #map}]} {
    %mul3A = arith.constant 2 : i32
    %mul3A_0 = arith.muli %arg1, %mul3A : i32
    %add3A = arith.addi %mul3A_0, %arg0 : i32
    %mul3A_1 = arith.constant 4 : i32
    %mul3A_2 = arith.muli %add3A, %mul3A_1 : i32
    "tpu.region"() ({
      %run_scoped3A = tpu.sem_alloc : memref<!tpu.dma_semaphore, #tpu.memory_space<semaphore_mem>>
      %dma_start3A_167 = arith.constant 0 : i32
      %dma_start3A_168 = tpu.memref_slice %arg4[%mul3A_2, %dma_start3A_167] : memref<128x128xi32, #tpu.memory_space<hbm>> -> memref<4x128xi32, #tpu.memory_space<hbm>>
      %dma_start3A_169 = arith.constant 0 : i32
      %dma_start3A_170 = tpu.memref_slice %arg4[%mul3A_2, %dma_start3A_169] : memref<128x128xi32, #tpu.memory_space<hbm>> -> memref<4x128xi32, #tpu.memory_space<hbm>>
      tpu.enqueue_dma source(%dma_start3A_170 : memref<4x128xi32, #tpu.memory_space<hbm>>) target(%arg8 : memref<4x128xi32, #tpu.memory_space<vmem>>) target_semaphore(%run_scoped3A : memref<!tpu.dma_semaphore, #tpu.memory_space<semaphore_mem>>)
      %dma_wait3A_171 = arith.constant 0 : i32
      %dma_wait3A_172 = tpu.memref_slice %arg4[%mul3A_2, %dma_wait3A_171] : memref<128x128xi32, #tpu.memory_space<hbm>> -> memref<4x128xi32, #tpu.memory_space<hbm>>
      %dma_wait3A_173 = arith.constant 0 : i32
      %dma_wait3A_174 = tpu.memref_slice %arg4[%mul3A_2, %dma_wait3A_173] : memref<128x128xi32, #tpu.memory_space<hbm>> -> memref<4x128xi32, #tpu.memory_space<hbm>>
      tpu.wait_dma2 semaphore(%run_scoped3A : memref<!tpu.dma_semaphore, #tpu.memory_space<semaphore_mem>>) src(%dma_wait3A_174 : memref<4x128xi32, #tpu.memory_space<hbm>>) dst(%arg8 : memref<4x128xi32, #tpu.memory_space<vmem>>)
      tpu.yield
    }) : () -> ()
    %mul3A_3 = arith.constant 4 : i32
    %mul3A_4 = arith.muli %add3A, %mul3A_3 : i32
    "tpu.region"() ({
      %run_scoped3A = tpu.sem_alloc : memref<!tpu.dma_semaphore, #tpu.memory_space<semaphore_mem>>
      %dma_start3A_167 = arith.constant 0 : i32
      %dma_start3A_168 = tpu.memref_slice %arg5[%mul3A_4, %dma_start3A_167] : memref<128x128xi32, #tpu.memory_space<hbm>> -> memref<4x128xi32, #tpu.memory_space<hbm>>
      %dma_start3A_169 = arith.constant 0 : i32
      %dma_start3A_170 = tpu.memref_slice %arg5[%mul3A_4, %dma_start3A_169] : memref<128x128xi32, #tpu.memory_space<hbm>> -> memref<4x128xi32, #tpu.memory_space<hbm>>
      tpu.enqueue_dma source(%dma_start3A_170 : memref<4x128xi32, #tpu.memory_space<hbm>>) target(%arg9 : memref<4x128xi32, #tpu.memory_space<vmem>>) target_semaphore(%run_scoped3A : memref<!tpu.dma_semaphore, #tpu.memory_space<semaphore_mem>>)
      %dma_wait3A_171 = arith.constant 0 : i32
      %dma_wait3A_172 = tpu.memref_slice %arg5[%mul3A_4, %dma_wait3A_171] : memref<128x128xi32, #tpu.memory_space<hbm>> -> memref<4x128xi32, #tpu.memory_space<hbm>>
      %dma_wait3A_173 = arith.constant 0 : i32
      %dma_wait3A_174 = tpu.memref_slice %arg5[%mul3A_4, %dma_wait3A_173] : memref<128x128xi32, #tpu.memory_space<hbm>> -> memref<4x128xi32, #tpu.memory_space<hbm>>
      tpu.wait_dma2 semaphore(%run_scoped3A : memref<!tpu.dma_semaphore, #tpu.memory_space<semaphore_mem>>) src(%dma_wait3A_174 : memref<4x128xi32, #tpu.memory_space<hbm>>) dst(%arg9 : memref<4x128xi32, #tpu.memory_space<vmem>>)
      tpu.yield
    }) : () -> ()
    %dma_start3A = arith.constant 0 : i32
    %dma_start3A_5 = arith.constant 0 : i32
    %dma_start3A_6 = arith.constant 0 : i32
    %dma_start3A_7 = tpu.memref_slice %arg10[%dma_start3A_5, %dma_start3A_6] : memref<512x32xf32, #tpu.memory_space<vmem>> -> memref<128x32xf32, #tpu.memory_space<vmem>>
    %dma_start3A_8 = arith.constant 0 : i32
    %dma_start3A_9 = tpu.memref_slice %arg8[%dma_start3A, %dma_start3A_8] : memref<4x128xi32, #tpu.memory_space<vmem>> -> memref<1x128xi32, #tpu.memory_space<vmem>>
    %dma_start3A_10 = tpu.memref_squeeze %dma_start3A_9 : memref<1x128xi32, #tpu.memory_space<vmem>> -> memref<128xi32, #tpu.memory_space<vmem>>
    %dma_start3A_11 = arith.constant 0 : i32
    %dma_start3A_12 = arith.constant 0 : i32
    %dma_start3A_13 = tpu.memref_slice %arg2[%dma_start3A_11, %dma_start3A_12] : memref<10000x32xf32, #tpu.memory_space<hbm>> -> memref<10000x32xf32, #tpu.memory_space<hbm>>
    tpu.enqueue_indirect_dma source(%dma_start3A_13 : memref<10000x32xf32, #tpu.memory_space<hbm>>) target(%dma_start3A_7 : memref<128x32xf32, #tpu.memory_space<vmem>>) offsets(%dma_start3A_10 : memref<128xi32, #tpu.memory_space<vmem>>) semaphore(%arg12 : memref<!tpu.dma_semaphore, #tpu.memory_space<semaphore_mem>>)
    %dma_start3A_14 = arith.constant 0 : i32
    %dma_start3A_15 = arith.constant 0 : i32
    %dma_start3A_16 = arith.constant 0 : i32
    %dma_start3A_17 = tpu.memref_slice %arg11[%dma_start3A_15, %dma_start3A_16] : memref<512x32xf32, #tpu.memory_space<vmem>> -> memref<128x32xf32, #tpu.memory_space<vmem>>
    %dma_start3A_18 = arith.constant 0 : i32
    %dma_start3A_19 = tpu.memref_slice %arg9[%dma_start3A_14, %dma_start3A_18] : memref<4x128xi32, #tpu.memory_space<vmem>> -> memref<1x128xi32, #tpu.memory_space<vmem>>
    %dma_start3A_20 = tpu.memref_squeeze %dma_start3A_19 : memref<1x128xi32, #tpu.memory_space<vmem>> -> memref<128xi32, #tpu.memory_space<vmem>>
    %dma_start3A_21 = arith.constant 0 : i32
    %dma_start3A_22 = arith.constant 0 : i32
    %dma_start3A_23 = tpu.memref_slice %arg3[%dma_start3A_21, %dma_start3A_22] : memref<10000x32xf32, #tpu.memory_space<hbm>> -> memref<10000x32xf32, #tpu.memory_space<hbm>>
    tpu.enqueue_indirect_dma source(%dma_start3A_23 : memref<10000x32xf32, #tpu.memory_space<hbm>>) target(%dma_start3A_17 : memref<128x32xf32, #tpu.memory_space<vmem>>) offsets(%dma_start3A_20 : memref<128xi32, #tpu.memory_space<vmem>>) semaphore(%arg12 : memref<!tpu.dma_semaphore, #tpu.memory_space<semaphore_mem>>)
    %dma_start3A_24 = arith.constant 1 : i32
    %dma_start3A_25 = arith.constant 128 : i32
    %dma_start3A_26 = arith.constant 0 : i32
    %dma_start3A_27 = tpu.memref_slice %arg10[%dma_start3A_25, %dma_start3A_26] : memref<512x32xf32, #tpu.memory_space<vmem>> -> memref<128x32xf32, #tpu.memory_space<vmem>>
    %dma_start3A_28 = arith.constant 0 : i32
    %dma_start3A_29 = tpu.memref_slice %arg8[%dma_start3A_24, %dma_start3A_28] : memref<4x128xi32, #tpu.memory_space<vmem>> -> memref<1x128xi32, #tpu.memory_space<vmem>>
    %dma_start3A_30 = tpu.memref_squeeze %dma_start3A_29 : memref<1x128xi32, #tpu.memory_space<vmem>> -> memref<128xi32, #tpu.memory_space<vmem>>
    %dma_start3A_31 = arith.constant 0 : i32
    %dma_start3A_32 = arith.constant 0 : i32
    %dma_start3A_33 = tpu.memref_slice %arg2[%dma_start3A_31, %dma_start3A_32] : memref<10000x32xf32, #tpu.memory_space<hbm>> -> memref<10000x32xf32, #tpu.memory_space<hbm>>
    tpu.enqueue_indirect_dma source(%dma_start3A_33 : memref<10000x32xf32, #tpu.memory_space<hbm>>) target(%dma_start3A_27 : memref<128x32xf32, #tpu.memory_space<vmem>>) offsets(%dma_start3A_30 : memref<128xi32, #tpu.memory_space<vmem>>) semaphore(%arg12 : memref<!tpu.dma_semaphore, #tpu.memory_space<semaphore_mem>>)
    %dma_start3A_34 = arith.constant 1 : i32
    %dma_start3A_35 = arith.constant 128 : i32
    %dma_start3A_36 = arith.constant 0 : i32
    %dma_start3A_37 = tpu.memref_slice %arg11[%dma_start3A_35, %dma_start3A_36] : memref<512x32xf32, #tpu.memory_space<vmem>> -> memref<128x32xf32, #tpu.memory_space<vmem>>
    %dma_start3A_38 = arith.constant 0 : i32
    %dma_start3A_39 = tpu.memref_slice %arg9[%dma_start3A_34, %dma_start3A_38] : memref<4x128xi32, #tpu.memory_space<vmem>> -> memref<1x128xi32, #tpu.memory_space<vmem>>
    %dma_start3A_40 = tpu.memref_squeeze %dma_start3A_39 : memref<1x128xi32, #tpu.memory_space<vmem>> -> memref<128xi32, #tpu.memory_space<vmem>>
    %dma_start3A_41 = arith.constant 0 : i32
    %dma_start3A_42 = arith.constant 0 : i32
    %dma_start3A_43 = tpu.memref_slice %arg3[%dma_start3A_41, %dma_start3A_42] : memref<10000x32xf32, #tpu.memory_space<hbm>> -> memref<10000x32xf32, #tpu.memory_space<hbm>>
    tpu.enqueue_indirect_dma source(%dma_start3A_43 : memref<10000x32xf32, #tpu.memory_space<hbm>>) target(%dma_start3A_37 : memref<128x32xf32, #tpu.memory_space<vmem>>) offsets(%dma_start3A_40 : memref<128xi32, #tpu.memory_space<vmem>>) semaphore(%arg12 : memref<!tpu.dma_semaphore, #tpu.memory_space<semaphore_mem>>)
    %dma_start3A_44 = arith.constant 2 : i32
    %dma_start3A_45 = arith.constant 256 : i32
    %dma_start3A_46 = arith.constant 0 : i32
    %dma_start3A_47 = tpu.memref_slice %arg10[%dma_start3A_45, %dma_start3A_46] : memref<512x32xf32, #tpu.memory_space<vmem>> -> memref<128x32xf32, #tpu.memory_space<vmem>>
    %dma_start3A_48 = arith.constant 0 : i32
    %dma_start3A_49 = tpu.memref_slice %arg8[%dma_start3A_44, %dma_start3A_48] : memref<4x128xi32, #tpu.memory_space<vmem>> -> memref<1x128xi32, #tpu.memory_space<vmem>>
    %dma_start3A_50 = tpu.memref_squeeze %dma_start3A_49 : memref<1x128xi32, #tpu.memory_space<vmem>> -> memref<128xi32, #tpu.memory_space<vmem>>
    %dma_start3A_51 = arith.constant 0 : i32
    %dma_start3A_52 = arith.constant 0 : i32
    %dma_start3A_53 = tpu.memref_slice %arg2[%dma_start3A_51, %dma_start3A_52] : memref<10000x32xf32, #tpu.memory_space<hbm>> -> memref<10000x32xf32, #tpu.memory_space<hbm>>
    tpu.enqueue_indirect_dma source(%dma_start3A_53 : memref<10000x32xf32, #tpu.memory_space<hbm>>) target(%dma_start3A_47 : memref<128x32xf32, #tpu.memory_space<vmem>>) offsets(%dma_start3A_50 : memref<128xi32, #tpu.memory_space<vmem>>) semaphore(%arg12 : memref<!tpu.dma_semaphore, #tpu.memory_space<semaphore_mem>>)
    %dma_start3A_54 = arith.constant 2 : i32
    %dma_start3A_55 = arith.constant 256 : i32
    %dma_start3A_56 = arith.constant 0 : i32
    %dma_start3A_57 = tpu.memref_slice %arg11[%dma_start3A_55, %dma_start3A_56] : memref<512x32xf32, #tpu.memory_space<vmem>> -> memref<128x32xf32, #tpu.memory_space<vmem>>
    %dma_start3A_58 = arith.constant 0 : i32
    %dma_start3A_59 = tpu.memref_slice %arg9[%dma_start3A_54, %dma_start3A_58] : memref<4x128xi32, #tpu.memory_space<vmem>> -> memref<1x128xi32, #tpu.memory_space<vmem>>
    %dma_start3A_60 = tpu.memref_squeeze %dma_start3A_59 : memref<1x128xi32, #tpu.memory_space<vmem>> -> memref<128xi32, #tpu.memory_space<vmem>>
    %dma_start3A_61 = arith.constant 0 : i32
    %dma_start3A_62 = arith.constant 0 : i32
    %dma_start3A_63 = tpu.memref_slice %arg3[%dma_start3A_61, %dma_start3A_62] : memref<10000x32xf32, #tpu.memory_space<hbm>> -> memref<10000x32xf32, #tpu.memory_space<hbm>>
    tpu.enqueue_indirect_dma source(%dma_start3A_63 : memref<10000x32xf32, #tpu.memory_space<hbm>>) target(%dma_start3A_57 : memref<128x32xf32, #tpu.memory_space<vmem>>) offsets(%dma_start3A_60 : memref<128xi32, #tpu.memory_space<vmem>>) semaphore(%arg12 : memref<!tpu.dma_semaphore, #tpu.memory_space<semaphore_mem>>)
    %dma_start3A_64 = arith.constant 3 : i32
    %dma_start3A_65 = arith.constant 384 : i32
    %dma_start3A_66 = arith.constant 0 : i32
    %dma_start3A_67 = tpu.memref_slice %arg10[%dma_start3A_65, %dma_start3A_66] : memref<512x32xf32, #tpu.memory_space<vmem>> -> memref<128x32xf32, #tpu.memory_space<vmem>>
    %dma_start3A_68 = arith.constant 0 : i32
    %dma_start3A_69 = tpu.memref_slice %arg8[%dma_start3A_64, %dma_start3A_68] : memref<4x128xi32, #tpu.memory_space<vmem>> -> memref<1x128xi32, #tpu.memory_space<vmem>>
    %dma_start3A_70 = tpu.memref_squeeze %dma_start3A_69 : memref<1x128xi32, #tpu.memory_space<vmem>> -> memref<128xi32, #tpu.memory_space<vmem>>
    %dma_start3A_71 = arith.constant 0 : i32
    %dma_start3A_72 = arith.constant 0 : i32
    %dma_start3A_73 = tpu.memref_slice %arg2[%dma_start3A_71, %dma_start3A_72] : memref<10000x32xf32, #tpu.memory_space<hbm>> -> memref<10000x32xf32, #tpu.memory_space<hbm>>
    tpu.enqueue_indirect_dma source(%dma_start3A_73 : memref<10000x32xf32, #tpu.memory_space<hbm>>) target(%dma_start3A_67 : memref<128x32xf32, #tpu.memory_space<vmem>>) offsets(%dma_start3A_70 : memref<128xi32, #tpu.memory_space<vmem>>) semaphore(%arg12 : memref<!tpu.dma_semaphore, #tpu.memory_space<semaphore_mem>>)
    %dma_start3A_74 = arith.constant 3 : i32
    %dma_start3A_75 = arith.constant 384 : i32
    %dma_start3A_76 = arith.constant 0 : i32
    %dma_start3A_77 = tpu.memref_slice %arg11[%dma_start3A_75, %dma_start3A_76] : memref<512x32xf32, #tpu.memory_space<vmem>> -> memref<128x32xf32, #tpu.memory_space<vmem>>
    %dma_start3A_78 = arith.constant 0 : i32
    %dma_start3A_79 = tpu.memref_slice %arg9[%dma_start3A_74, %dma_start3A_78] : memref<4x128xi32, #tpu.memory_space<vmem>> -> memref<1x128xi32, #tpu.memory_space<vmem>>
    %dma_start3A_80 = tpu.memref_squeeze %dma_start3A_79 : memref<1x128xi32, #tpu.memory_space<vmem>> -> memref<128xi32, #tpu.memory_space<vmem>>
    %dma_start3A_81 = arith.constant 0 : i32
    %dma_start3A_82 = arith.constant 0 : i32
    %dma_start3A_83 = tpu.memref_slice %arg3[%dma_start3A_81, %dma_start3A_82] : memref<10000x32xf32, #tpu.memory_space<hbm>> -> memref<10000x32xf32, #tpu.memory_space<hbm>>
    tpu.enqueue_indirect_dma source(%dma_start3A_83 : memref<10000x32xf32, #tpu.memory_space<hbm>>) target(%dma_start3A_77 : memref<128x32xf32, #tpu.memory_space<vmem>>) offsets(%dma_start3A_80 : memref<128xi32, #tpu.memory_space<vmem>>) semaphore(%arg12 : memref<!tpu.dma_semaphore, #tpu.memory_space<semaphore_mem>>)
    %dma_wait3A = arith.constant 0 : i32
    %dma_wait3A_84 = arith.constant 0 : i32
    %dma_wait3A_85 = arith.constant 0 : i32
    %dma_wait3A_86 = tpu.memref_slice %arg10[%dma_wait3A_84, %dma_wait3A_85] : memref<512x32xf32, #tpu.memory_space<vmem>> -> memref<128x32xf32, #tpu.memory_space<vmem>>
    %dma_wait3A_87 = arith.constant 0 : i32
    %dma_wait3A_88 = tpu.memref_slice %arg8[%dma_wait3A, %dma_wait3A_87] : memref<4x128xi32, #tpu.memory_space<vmem>> -> memref<1x128xi32, #tpu.memory_space<vmem>>
    %dma_wait3A_89 = tpu.memref_squeeze %dma_wait3A_88 : memref<1x128xi32, #tpu.memory_space<vmem>> -> memref<128xi32, #tpu.memory_space<vmem>>
    %dma_wait3A_90 = arith.constant 0 : i32
    %dma_wait3A_91 = arith.constant 0 : i32
    %dma_wait3A_92 = tpu.memref_slice %arg2[%dma_wait3A_90, %dma_wait3A_91] : memref<10000x32xf32, #tpu.memory_space<hbm>> -> memref<10000x32xf32, #tpu.memory_space<hbm>>
    tpu.wait_indirect_dma semaphore(%arg12 : memref<!tpu.dma_semaphore, #tpu.memory_space<semaphore_mem>>) src(%dma_wait3A_92 : memref<10000x32xf32, #tpu.memory_space<hbm>>) dst(%dma_wait3A_86 : memref<128x32xf32, #tpu.memory_space<vmem>>)
    %dma_wait3A_93 = arith.constant 0 : i32
    %dma_wait3A_94 = arith.constant 0 : i32
    %dma_wait3A_95 = arith.constant 0 : i32
    %dma_wait3A_96 = tpu.memref_slice %arg11[%dma_wait3A_94, %dma_wait3A_95] : memref<512x32xf32, #tpu.memory_space<vmem>> -> memref<128x32xf32, #tpu.memory_space<vmem>>
    %dma_wait3A_97 = arith.constant 0 : i32
    %dma_wait3A_98 = tpu.memref_slice %arg9[%dma_wait3A_93, %dma_wait3A_97] : memref<4x128xi32, #tpu.memory_space<vmem>> -> memref<1x128xi32, #tpu.memory_space<vmem>>
    %dma_wait3A_99 = tpu.memref_squeeze %dma_wait3A_98 : memref<1x128xi32, #tpu.memory_space<vmem>> -> memref<128xi32, #tpu.memory_space<vmem>>
    %dma_wait3A_100 = arith.constant 0 : i32
    %dma_wait3A_101 = arith.constant 0 : i32
    %dma_wait3A_102 = tpu.memref_slice %arg3[%dma_wait3A_100, %dma_wait3A_101] : memref<10000x32xf32, #tpu.memory_space<hbm>> -> memref<10000x32xf32, #tpu.memory_space<hbm>>
    tpu.wait_indirect_dma semaphore(%arg12 : memref<!tpu.dma_semaphore, #tpu.memory_space<semaphore_mem>>) src(%dma_wait3A_102 : memref<10000x32xf32, #tpu.memory_space<hbm>>) dst(%dma_wait3A_96 : memref<128x32xf32, #tpu.memory_space<vmem>>)
    %dma_wait3A_103 = arith.constant 1 : i32
    %dma_wait3A_104 = arith.constant 128 : i32
    %dma_wait3A_105 = arith.constant 0 : i32
    %dma_wait3A_106 = tpu.memref_slice %arg10[%dma_wait3A_104, %dma_wait3A_105] : memref<512x32xf32, #tpu.memory_space<vmem>> -> memref<128x32xf32, #tpu.memory_space<vmem>>
    %dma_wait3A_107 = arith.constant 0 : i32
    %dma_wait3A_108 = tpu.memref_slice %arg8[%dma_wait3A_103, %dma_wait3A_107] : memref<4x128xi32, #tpu.memory_space<vmem>> -> memref<1x128xi32, #tpu.memory_space<vmem>>
    %dma_wait3A_109 = tpu.memref_squeeze %dma_wait3A_108 : memref<1x128xi32, #tpu.memory_space<vmem>> -> memref<128xi32, #tpu.memory_space<vmem>>
    %dma_wait3A_110 = arith.constant 0 : i32
    %dma_wait3A_111 = arith.constant 0 : i32
    %dma_wait3A_112 = tpu.memref_slice %arg2[%dma_wait3A_110, %dma_wait3A_111] : memref<10000x32xf32, #tpu.memory_space<hbm>> -> memref<10000x32xf32, #tpu.memory_space<hbm>>
    tpu.wait_indirect_dma semaphore(%arg12 : memref<!tpu.dma_semaphore, #tpu.memory_space<semaphore_mem>>) src(%dma_wait3A_112 : memref<10000x32xf32, #tpu.memory_space<hbm>>) dst(%dma_wait3A_106 : memref<128x32xf32, #tpu.memory_space<vmem>>)
    %dma_wait3A_113 = arith.constant 1 : i32
    %dma_wait3A_114 = arith.constant 128 : i32
    %dma_wait3A_115 = arith.constant 0 : i32
    %dma_wait3A_116 = tpu.memref_slice %arg11[%dma_wait3A_114, %dma_wait3A_115] : memref<512x32xf32, #tpu.memory_space<vmem>> -> memref<128x32xf32, #tpu.memory_space<vmem>>
    %dma_wait3A_117 = arith.constant 0 : i32
    %dma_wait3A_118 = tpu.memref_slice %arg9[%dma_wait3A_113, %dma_wait3A_117] : memref<4x128xi32, #tpu.memory_space<vmem>> -> memref<1x128xi32, #tpu.memory_space<vmem>>
    %dma_wait3A_119 = tpu.memref_squeeze %dma_wait3A_118 : memref<1x128xi32, #tpu.memory_space<vmem>> -> memref<128xi32, #tpu.memory_space<vmem>>
    %dma_wait3A_120 = arith.constant 0 : i32
    %dma_wait3A_121 = arith.constant 0 : i32
    %dma_wait3A_122 = tpu.memref_slice %arg3[%dma_wait3A_120, %dma_wait3A_121] : memref<10000x32xf32, #tpu.memory_space<hbm>> -> memref<10000x32xf32, #tpu.memory_space<hbm>>
    tpu.wait_indirect_dma semaphore(%arg12 : memref<!tpu.dma_semaphore, #tpu.memory_space<semaphore_mem>>) src(%dma_wait3A_122 : memref<10000x32xf32, #tpu.memory_space<hbm>>) dst(%dma_wait3A_116 : memref<128x32xf32, #tpu.memory_space<vmem>>)
    %dma_wait3A_123 = arith.constant 2 : i32
    %dma_wait3A_124 = arith.constant 256 : i32
    %dma_wait3A_125 = arith.constant 0 : i32
    %dma_wait3A_126 = tpu.memref_slice %arg10[%dma_wait3A_124, %dma_wait3A_125] : memref<512x32xf32, #tpu.memory_space<vmem>> -> memref<128x32xf32, #tpu.memory_space<vmem>>
    %dma_wait3A_127 = arith.constant 0 : i32
    %dma_wait3A_128 = tpu.memref_slice %arg8[%dma_wait3A_123, %dma_wait3A_127] : memref<4x128xi32, #tpu.memory_space<vmem>> -> memref<1x128xi32, #tpu.memory_space<vmem>>
    %dma_wait3A_129 = tpu.memref_squeeze %dma_wait3A_128 : memref<1x128xi32, #tpu.memory_space<vmem>> -> memref<128xi32, #tpu.memory_space<vmem>>
    %dma_wait3A_130 = arith.constant 0 : i32
    %dma_wait3A_131 = arith.constant 0 : i32
    %dma_wait3A_132 = tpu.memref_slice %arg2[%dma_wait3A_130, %dma_wait3A_131] : memref<10000x32xf32, #tpu.memory_space<hbm>> -> memref<10000x32xf32, #tpu.memory_space<hbm>>
    tpu.wait_indirect_dma semaphore(%arg12 : memref<!tpu.dma_semaphore, #tpu.memory_space<semaphore_mem>>) src(%dma_wait3A_132 : memref<10000x32xf32, #tpu.memory_space<hbm>>) dst(%dma_wait3A_126 : memref<128x32xf32, #tpu.memory_space<vmem>>)
    %dma_wait3A_133 = arith.constant 2 : i32
    %dma_wait3A_134 = arith.constant 256 : i32
    %dma_wait3A_135 = arith.constant 0 : i32
    %dma_wait3A_136 = tpu.memref_slice %arg11[%dma_wait3A_134, %dma_wait3A_135] : memref<512x32xf32, #tpu.memory_space<vmem>> -> memref<128x32xf32, #tpu.memory_space<vmem>>
    %dma_wait3A_137 = arith.constant 0 : i32
    %dma_wait3A_138 = tpu.memref_slice %arg9[%dma_wait3A_133, %dma_wait3A_137] : memref<4x128xi32, #tpu.memory_space<vmem>> -> memref<1x128xi32, #tpu.memory_space<vmem>>
    %dma_wait3A_139 = tpu.memref_squeeze %dma_wait3A_138 : memref<1x128xi32, #tpu.memory_space<vmem>> -> memref<128xi32, #tpu.memory_space<vmem>>
    %dma_wait3A_140 = arith.constant 0 : i32
    %dma_wait3A_141 = arith.constant 0 : i32
    %dma_wait3A_142 = tpu.memref_slice %arg3[%dma_wait3A_140, %dma_wait3A_141] : memref<10000x32xf32, #tpu.memory_space<hbm>> -> memref<10000x32xf32, #tpu.memory_space<hbm>>
    tpu.wait_indirect_dma semaphore(%arg12 : memref<!tpu.dma_semaphore, #tpu.memory_space<semaphore_mem>>) src(%dma_wait3A_142 : memref<10000x32xf32, #tpu.memory_space<hbm>>) dst(%dma_wait3A_136 : memref<128x32xf32, #tpu.memory_space<vmem>>)
    %dma_wait3A_143 = arith.constant 3 : i32
    %dma_wait3A_144 = arith.constant 384 : i32
    %dma_wait3A_145 = arith.constant 0 : i32
    %dma_wait3A_146 = tpu.memref_slice %arg10[%dma_wait3A_144, %dma_wait3A_145] : memref<512x32xf32, #tpu.memory_space<vmem>> -> memref<128x32xf32, #tpu.memory_space<vmem>>
    %dma_wait3A_147 = arith.constant 0 : i32
    %dma_wait3A_148 = tpu.memref_slice %arg8[%dma_wait3A_143, %dma_wait3A_147] : memref<4x128xi32, #tpu.memory_space<vmem>> -> memref<1x128xi32, #tpu.memory_space<vmem>>
    %dma_wait3A_149 = tpu.memref_squeeze %dma_wait3A_148 : memref<1x128xi32, #tpu.memory_space<vmem>> -> memref<128xi32, #tpu.memory_space<vmem>>
    %dma_wait3A_150 = arith.constant 0 : i32
    %dma_wait3A_151 = arith.constant 0 : i32
    %dma_wait3A_152 = tpu.memref_slice %arg2[%dma_wait3A_150, %dma_wait3A_151] : memref<10000x32xf32, #tpu.memory_space<hbm>> -> memref<10000x32xf32, #tpu.memory_space<hbm>>
    tpu.wait_indirect_dma semaphore(%arg12 : memref<!tpu.dma_semaphore, #tpu.memory_space<semaphore_mem>>) src(%dma_wait3A_152 : memref<10000x32xf32, #tpu.memory_space<hbm>>) dst(%dma_wait3A_146 : memref<128x32xf32, #tpu.memory_space<vmem>>)
    %dma_wait3A_153 = arith.constant 3 : i32
    %dma_wait3A_154 = arith.constant 384 : i32
    %dma_wait3A_155 = arith.constant 0 : i32
    %dma_wait3A_156 = tpu.memref_slice %arg11[%dma_wait3A_154, %dma_wait3A_155] : memref<512x32xf32, #tpu.memory_space<vmem>> -> memref<128x32xf32, #tpu.memory_space<vmem>>
    %dma_wait3A_157 = arith.constant 0 : i32
    %dma_wait3A_158 = tpu.memref_slice %arg9[%dma_wait3A_153, %dma_wait3A_157] : memref<4x128xi32, #tpu.memory_space<vmem>> -> memref<1x128xi32, #tpu.memory_space<vmem>>
    %dma_wait3A_159 = tpu.memref_squeeze %dma_wait3A_158 : memref<1x128xi32, #tpu.memory_space<vmem>> -> memref<128xi32, #tpu.memory_space<vmem>>
    %dma_wait3A_160 = arith.constant 0 : i32
    %dma_wait3A_161 = arith.constant 0 : i32
    %dma_wait3A_162 = tpu.memref_slice %arg3[%dma_wait3A_160, %dma_wait3A_161] : memref<10000x32xf32, #tpu.memory_space<hbm>> -> memref<10000x32xf32, #tpu.memory_space<hbm>>
    tpu.wait_indirect_dma semaphore(%arg12 : memref<!tpu.dma_semaphore, #tpu.memory_space<semaphore_mem>>) src(%dma_wait3A_162 : memref<10000x32xf32, #tpu.memory_space<hbm>>) dst(%dma_wait3A_156 : memref<128x32xf32, #tpu.memory_space<vmem>>)
    %mul3A_163 = arith.constant 512 : i32
    %mul3A_164 = arith.muli %add3A, %mul3A_163 : i32
    "tpu.region"() ({
      %run_scoped3A = tpu.sem_alloc : memref<!tpu.dma_semaphore, #tpu.memory_space<semaphore_mem>>
      %dma_start3A_167 = arith.constant 0 : i32
      %dma_start3A_168 = tpu.memref_slice %arg6[%mul3A_164, %dma_start3A_167] : memref<16384x32xf32, #tpu.memory_space<hbm>> -> memref<512x32xf32, #tpu.memory_space<hbm>>
      %dma_start3A_169 = arith.constant 0 : i32
      %dma_start3A_170 = tpu.memref_slice %arg6[%mul3A_164, %dma_start3A_169] : memref<16384x32xf32, #tpu.memory_space<hbm>> -> memref<512x32xf32, #tpu.memory_space<hbm>>
      tpu.enqueue_dma source(%arg10 : memref<512x32xf32, #tpu.memory_space<vmem>>) target(%dma_start3A_170 : memref<512x32xf32, #tpu.memory_space<hbm>>) target_semaphore(%run_scoped3A : memref<!tpu.dma_semaphore, #tpu.memory_space<semaphore_mem>>)
      %dma_wait3A_171 = arith.constant 0 : i32
      %dma_wait3A_172 = tpu.memref_slice %arg6[%mul3A_164, %dma_wait3A_171] : memref<16384x32xf32, #tpu.memory_space<hbm>> -> memref<512x32xf32, #tpu.memory_space<hbm>>
      %dma_wait3A_173 = arith.constant 0 : i32
      %dma_wait3A_174 = tpu.memref_slice %arg6[%mul3A_164, %dma_wait3A_173] : memref<16384x32xf32, #tpu.memory_space<hbm>> -> memref<512x32xf32, #tpu.memory_space<hbm>>
      tpu.wait_dma2 semaphore(%run_scoped3A : memref<!tpu.dma_semaphore, #tpu.memory_space<semaphore_mem>>) src(%arg10 : memref<512x32xf32, #tpu.memory_space<vmem>>) dst(%dma_wait3A_174 : memref<512x32xf32, #tpu.memory_space<hbm>>)
      tpu.yield
    }) : () -> ()
    %mul3A_165 = arith.constant 512 : i32
    %mul3A_166 = arith.muli %add3A, %mul3A_165 : i32
    "tpu.region"() ({
      %run_scoped3A = tpu.sem_alloc : memref<!tpu.dma_semaphore, #tpu.memory_space<semaphore_mem>>
      %dma_start3A_167 = arith.constant 0 : i32
      %dma_start3A_168 = tpu.memref_slice %arg7[%mul3A_166, %dma_start3A_167] : memref<16384x32xf32, #tpu.memory_space<hbm>> -> memref<512x32xf32, #tpu.memory_space<hbm>>
      %dma_start3A_169 = arith.constant 0 : i32
      %dma_start3A_170 = tpu.memref_slice %arg7[%mul3A_166, %dma_start3A_169] : memref<16384x32xf32, #tpu.memory_space<hbm>> -> memref<512x32xf32, #tpu.memory_space<hbm>>
      tpu.enqueue_dma source(%arg11 : memref<512x32xf32, #tpu.memory_space<vmem>>) target(%dma_start3A_170 : memref<512x32xf32, #tpu.memory_space<hbm>>) target_semaphore(%run_scoped3A : memref<!tpu.dma_semaphore, #tpu.memory_space<semaphore_mem>>)
      %dma_wait3A_171 = arith.constant 0 : i32
      %dma_wait3A_172 = tpu.memref_slice %arg7[%mul3A_166, %dma_wait3A_171] : memref<16384x32xf32, #tpu.memory_space<hbm>> -> memref<512x32xf32, #tpu.memory_space<hbm>>
      %dma_wait3A_173 = arith.constant 0 : i32
      %dma_wait3A_174 = tpu.memref_slice %arg7[%mul3A_166, %dma_wait3A_173] : memref<16384x32xf32, #tpu.memory_space<hbm>> -> memref<512x32xf32, #tpu.memory_space<hbm>>
      tpu.wait_dma2 semaphore(%run_scoped3A : memref<!tpu.dma_semaphore, #tpu.memory_space<semaphore_mem>>) src(%arg11 : memref<512x32xf32, #tpu.memory_space<vmem>>) dst(%dma_wait3A_174 : memref<512x32xf32, #tpu.memory_space<hbm>>)
      tpu.yield
    }) : () -> ()
    return
  }
}

#map = affine_map<(d0, d1) -> (0, 0)>
module attributes {stable_mosaic.version = 14 : i64} {
  func.func @gather(%arg0: i32, %arg1: i32, %arg2: memref<10000x32xf32, #tpu.memory_space<hbm>>, %arg3: memref<10000x32xf32, #tpu.memory_space<hbm>>, %arg4: memref<128x128xi32, #tpu.memory_space<hbm>>, %arg5: memref<128x128xi32, #tpu.memory_space<hbm>>, %arg6: memref<16384x32xf32, #tpu.memory_space<hbm>>, %arg7: memref<16384x32xf32, #tpu.memory_space<hbm>>, %arg8: memref<4x128xi32, #tpu.memory_space<vmem>>, %arg9: memref<4x128xi32, #tpu.memory_space<vmem>>, %arg10: memref<512x32xf32, #tpu.memory_space<vmem>>, %arg11: memref<512x32xf32, #tpu.memory_space<vmem>>, %arg12: memref<!tpu.dma_semaphore, #tpu.memory_space<semaphore_mem>>) attributes {dimension_semantics = [#tpu.dimension_semantics<core_parallel>, #tpu.dimension_semantics<subcore_parallel>], iteration_bounds = array<i64: 2, 16>, scalar_prefetch = 0 : i64, scratch_operands = 5 : i64, tpu.core_type = #tpu.core_type<sc_vector_subcore>, window_params = [{transform_indices = #map}, {transform_indices = #map}, {transform_indices = #map}, {transform_indices = #map}, {transform_indices = #map}, {transform_indices = #map}]} {
    %mul3A = arith.constant 2 : i32
    %mul3A_0 = arith.muli %arg1, %mul3A : i32
    %add3A = arith.addi %mul3A_0, %arg0 : i32
    %mul3A_1 = arith.constant 4 : i32
    %mul3A_2 = arith.muli %add3A, %mul3A_1 : i32
    "tpu.region"() ({
      %run_scoped3A = tpu.sem_alloc : memref<!tpu.dma_semaphore, #tpu.memory_space<semaphore_mem>>
      %dma_start3A_167 = arith.constant 0 : i32
      %dma_start3A_168 = tpu.memref_slice %arg4[%mul3A_2, %dma_start3A_167] : memref<128x128xi32, #tpu.memory_space<hbm>> -> memref<4x128xi32, #tpu.memory_space<hbm>>
      %dma_start3A_169 = arith.constant 0 : i32
      %dma_start3A_170 = tpu.memref_slice %arg4[%mul3A_2, %dma_start3A_169] : memref<128x128xi32, #tpu.memory_space<hbm>> -> memref<4x128xi32, #tpu.memory_space<hbm>>
      tpu.enqueue_dma source(%dma_start3A_170 : memref<4x128xi32, #tpu.memory_space<hbm>>) target(%arg8 : memref<4x128xi32, #tpu.memory_space<vmem>>) target_semaphore(%run_scoped3A : memref<!tpu.dma_semaphore, #tpu.memory_space<semaphore_mem>>)
      %dma_wait3A_171 = arith.constant 0 : i32
      %dma_wait3A_172 = tpu.memref_slice %arg4[%mul3A_2, %dma_wait3A_171] : memref<128x128xi32, #tpu.memory_space<hbm>> -> memref<4x128xi32, #tpu.memory_space<hbm>>
      %dma_wait3A_173 = arith.constant 0 : i32
      %dma_wait3A_174 = tpu.memref_slice %arg4[%mul3A_2, %dma_wait3A_173] : memref<128x128xi32, #tpu.memory_space<hbm>> -> memref<4x128xi32, #tpu.memory_space<hbm>>
      tpu.wait_dma2 semaphore(%run_scoped3A : memref<!tpu.dma_semaphore, #tpu.memory_space<semaphore_mem>>) src(%dma_wait3A_174 : memref<4x128xi32, #tpu.memory_space<hbm>>) dst(%arg8 : memref<4x128xi32, #tpu.memory_space<vmem>>)
      tpu.yield
    }) : () -> ()
    %mul3A_3 = arith.constant 4 : i32
    %mul3A_4 = arith.muli %add3A, %mul3A_3 : i32
    "tpu.region"() ({
      %run_scoped3A = tpu.sem_alloc : memref<!tpu.dma_semaphore, #tpu.memory_space<semaphore_mem>>
      %dma_start3A_167 = arith.constant 0 : i32
      %dma_start3A_168 = tpu.memref_slice %arg5[%mul3A_4, %dma_start3A_167] : memref<128x128xi32, #tpu.memory_space<hbm>> -> memref<4x128xi32, #tpu.memory_space<hbm>>
      %dma_start3A_169 = arith.constant 0 : i32
      %dma_start3A_170 = tpu.memref_slice %arg5[%mul3A_4, %dma_start3A_169] : memref<128x128xi32, #tpu.memory_space<hbm>> -> memref<4x128xi32, #tpu.memory_space<hbm>>
      tpu.enqueue_dma source(%dma_start3A_170 : memref<4x128xi32, #tpu.memory_space<hbm>>) target(%arg9 : memref<4x128xi32, #tpu.memory_space<vmem>>) target_semaphore(%run_scoped3A : memref<!tpu.dma_semaphore, #tpu.memory_space<semaphore_mem>>)
      %dma_wait3A_171 = arith.constant 0 : i32
      %dma_wait3A_172 = tpu.memref_slice %arg5[%mul3A_4, %dma_wait3A_171] : memref<128x128xi32, #tpu.memory_space<hbm>> -> memref<4x128xi32, #tpu.memory_space<hbm>>
      %dma_wait3A_173 = arith.constant 0 : i32
      %dma_wait3A_174 = tpu.memref_slice %arg5[%mul3A_4, %dma_wait3A_173] : memref<128x128xi32, #tpu.memory_space<hbm>> -> memref<4x128xi32, #tpu.memory_space<hbm>>
      tpu.wait_dma2 semaphore(%run_scoped3A : memref<!tpu.dma_semaphore, #tpu.memory_space<semaphore_mem>>) src(%dma_wait3A_174 : memref<4x128xi32, #tpu.memory_space<hbm>>) dst(%arg9 : memref<4x128xi32, #tpu.memory_space<vmem>>)
      tpu.yield
    }) : () -> ()
    %dma_start3A = arith.constant 0 : i32
    %dma_start3A_5 = arith.constant 0 : i32
    %dma_start3A_6 = arith.constant 0 : i32
    %dma_start3A_7 = tpu.memref_slice %arg10[%dma_start3A_5, %dma_start3A_6] : memref<512x32xf32, #tpu.memory_space<vmem>> -> memref<128x32xf32, #tpu.memory_space<vmem>>
    %dma_start3A_8 = arith.constant 0 : i32
    %dma_start3A_9 = tpu.memref_slice %arg8[%dma_start3A, %dma_start3A_8] : memref<4x128xi32, #tpu.memory_space<vmem>> -> memref<1x128xi32, #tpu.memory_space<vmem>>
    %dma_start3A_10 = tpu.memref_squeeze %dma_start3A_9 : memref<1x128xi32, #tpu.memory_space<vmem>> -> memref<128xi32, #tpu.memory_space<vmem>>
    %dma_start3A_11 = arith.constant 0 : i32
    %dma_start3A_12 = arith.constant 0 : i32
    %dma_start3A_13 = tpu.memref_slice %arg2[%dma_start3A_11, %dma_start3A_12] : memref<10000x32xf32, #tpu.memory_space<hbm>> -> memref<10000x32xf32, #tpu.memory_space<hbm>>
    tpu.enqueue_indirect_dma source(%dma_start3A_13 : memref<10000x32xf32, #tpu.memory_space<hbm>>) target(%dma_start3A_7 : memref<128x32xf32, #tpu.memory_space<vmem>>) offsets(%dma_start3A_10 : memref<128xi32, #tpu.memory_space<vmem>>) semaphore(%arg12 : memref<!tpu.dma_semaphore, #tpu.memory_space<semaphore_mem>>)
    %dma_start3A_14 = arith.constant 0 : i32
    %dma_start3A_15 = arith.constant 0 : i32
    %dma_start3A_16 = arith.constant 0 : i32
    %dma_start3A_17 = tpu.memref_slice %arg11[%dma_start3A_15, %dma_start3A_16] : memref<512x32xf32, #tpu.memory_space<vmem>> -> memref<128x32xf32, #tpu.memory_space<vmem>>
    %dma_start3A_18 = arith.constant 0 : i32
    %dma_start3A_19 = tpu.memref_slice %arg9[%dma_start3A_14, %dma_start3A_18] : memref<4x128xi32, #tpu.memory_space<vmem>> -> memref<1x128xi32, #tpu.memory_space<vmem>>
    %dma_start3A_20 = tpu.memref_squeeze %dma_start3A_19 : memref<1x128xi32, #tpu.memory_space<vmem>> -> memref<128xi32, #tpu.memory_space<vmem>>
    %dma_start3A_21 = arith.constant 0 : i32
    %dma_start3A_22 = arith.constant 0 : i32
    %dma_start3A_23 = tpu.memref_slice %arg3[%dma_start3A_21, %dma_start3A_22] : memref<10000x32xf32, #tpu.memory_space<hbm>> -> memref<10000x32xf32, #tpu.memory_space<hbm>>
    tpu.enqueue_indirect_dma source(%dma_start3A_23 : memref<10000x32xf32, #tpu.memory_space<hbm>>) target(%dma_start3A_17 : memref<128x32xf32, #tpu.memory_space<vmem>>) offsets(%dma_start3A_20 : memref<128xi32, #tpu.memory_space<vmem>>) semaphore(%arg12 : memref<!tpu.dma_semaphore, #tpu.memory_space<semaphore_mem>>)
    %dma_start3A_24 = arith.constant 1 : i32
    %dma_start3A_25 = arith.constant 128 : i32
    %dma_start3A_26 = arith.constant 0 : i32
    %dma_start3A_27 = tpu.memref_slice %arg10[%dma_start3A_25, %dma_start3A_26] : memref<512x32xf32, #tpu.memory_space<vmem>> -> memref<128x32xf32, #tpu.memory_space<vmem>>
    %dma_start3A_28 = arith.constant 0 : i32
    %dma_start3A_29 = tpu.memref_slice %arg8[%dma_start3A_24, %dma_start3A_28] : memref<4x128xi32, #tpu.memory_space<vmem>> -> memref<1x128xi32, #tpu.memory_space<vmem>>
    %dma_start3A_30 = tpu.memref_squeeze %dma_start3A_29 : memref<1x128xi32, #tpu.memory_space<vmem>> -> memref<128xi32, #tpu.memory_space<vmem>>
    %dma_start3A_31 = arith.constant 0 : i32
    %dma_start3A_32 = arith.constant 0 : i32
    %dma_start3A_33 = tpu.memref_slice %arg2[%dma_start3A_31, %dma_start3A_32] : memref<10000x32xf32, #tpu.memory_space<hbm>> -> memref<10000x32xf32, #tpu.memory_space<hbm>>
    tpu.enqueue_indirect_dma source(%dma_start3A_33 : memref<10000x32xf32, #tpu.memory_space<hbm>>) target(%dma_start3A_27 : memref<128x32xf32, #tpu.memory_space<vmem>>) offsets(%dma_start3A_30 : memref<128xi32, #tpu.memory_space<vmem>>) semaphore(%arg12 : memref<!tpu.dma_semaphore, #tpu.memory_space<semaphore_mem>>)
    %dma_start3A_34 = arith.constant 1 : i32
    %dma_start3A_35 = arith.constant 128 : i32
    %dma_start3A_36 = arith.constant 0 : i32
    %dma_start3A_37 = tpu.memref_slice %arg11[%dma_start3A_35, %dma_start3A_36] : memref<512x32xf32, #tpu.memory_space<vmem>> -> memref<128x32xf32, #tpu.memory_space<vmem>>
    %dma_start3A_38 = arith.constant 0 : i32
    %dma_start3A_39 = tpu.memref_slice %arg9[%dma_start3A_34, %dma_start3A_38] : memref<4x128xi32, #tpu.memory_space<vmem>> -> memref<1x128xi32, #tpu.memory_space<vmem>>
    %dma_start3A_40 = tpu.memref_squeeze %dma_start3A_39 : memref<1x128xi32, #tpu.memory_space<vmem>> -> memref<128xi32, #tpu.memory_space<vmem>>
    %dma_start3A_41 = arith.constant 0 : i32
    %dma_start3A_42 = arith.constant 0 : i32
    %dma_start3A_43 = tpu.memref_slice %arg3[%dma_start3A_41, %dma_start3A_42] : memref<10000x32xf32, #tpu.memory_space<hbm>> -> memref<10000x32xf32, #tpu.memory_space<hbm>>
    tpu.enqueue_indirect_dma source(%dma_start3A_43 : memref<10000x32xf32, #tpu.memory_space<hbm>>) target(%dma_start3A_37 : memref<128x32xf32, #tpu.memory_space<vmem>>) offsets(%dma_start3A_40 : memref<128xi32, #tpu.memory_space<vmem>>) semaphore(%arg12 : memref<!tpu.dma_semaphore, #tpu.memory_space<semaphore_mem>>)
    %dma_start3A_44 = arith.constant 2 : i32
    %dma_start3A_45 = arith.constant 256 : i32
    %dma_start3A_46 = arith.constant 0 : i32
    %dma_start3A_47 = tpu.memref_slice %arg10[%dma_start3A_45, %dma_start3A_46] : memref<512x32xf32, #tpu.memory_space<vmem>> -> memref<128x32xf32, #tpu.memory_space<vmem>>
    %dma_start3A_48 = arith.constant 0 : i32
    %dma_start3A_49 = tpu.memref_slice %arg8[%dma_start3A_44, %dma_start3A_48] : memref<4x128xi32, #tpu.memory_space<vmem>> -> memref<1x128xi32, #tpu.memory_space<vmem>>
    %dma_start3A_50 = tpu.memref_squeeze %dma_start3A_49 : memref<1x128xi32, #tpu.memory_space<vmem>> -> memref<128xi32, #tpu.memory_space<vmem>>
    %dma_start3A_51 = arith.constant 0 : i32
    %dma_start3A_52 = arith.constant 0 : i32
    %dma_start3A_53 = tpu.memref_slice %arg2[%dma_start3A_51, %dma_start3A_52] : memref<10000x32xf32, #tpu.memory_space<hbm>> -> memref<10000x32xf32, #tpu.memory_space<hbm>>
    tpu.enqueue_indirect_dma source(%dma_start3A_53 : memref<10000x32xf32, #tpu.memory_space<hbm>>) target(%dma_start3A_47 : memref<128x32xf32, #tpu.memory_space<vmem>>) offsets(%dma_start3A_50 : memref<128xi32, #tpu.memory_space<vmem>>) semaphore(%arg12 : memref<!tpu.dma_semaphore, #tpu.memory_space<semaphore_mem>>)
    %dma_start3A_54 = arith.constant 2 : i32
    %dma_start3A_55 = arith.constant 256 : i32
    %dma_start3A_56 = arith.constant 0 : i32
    %dma_start3A_57 = tpu.memref_slice %arg11[%dma_start3A_55, %dma_start3A_56] : memref<512x32xf32, #tpu.memory_space<vmem>> -> memref<128x32xf32, #tpu.memory_space<vmem>>
    %dma_start3A_58 = arith.constant 0 : i32
    %dma_start3A_59 = tpu.memref_slice %arg9[%dma_start3A_54, %dma_start3A_58] : memref<4x128xi32, #tpu.memory_space<vmem>> -> memref<1x128xi32, #tpu.memory_space<vmem>>
    %dma_start3A_60 = tpu.memref_squeeze %dma_start3A_59 : memref<1x128xi32, #tpu.memory_space<vmem>> -> memref<128xi32, #tpu.memory_space<vmem>>
    %dma_start3A_61 = arith.constant 0 : i32
    %dma_start3A_62 = arith.constant 0 : i32
    %dma_start3A_63 = tpu.memref_slice %arg3[%dma_start3A_61, %dma_start3A_62] : memref<10000x32xf32, #tpu.memory_space<hbm>> -> memref<10000x32xf32, #tpu.memory_space<hbm>>
    tpu.enqueue_indirect_dma source(%dma_start3A_63 : memref<10000x32xf32, #tpu.memory_space<hbm>>) target(%dma_start3A_57 : memref<128x32xf32, #tpu.memory_space<vmem>>) offsets(%dma_start3A_60 : memref<128xi32, #tpu.memory_space<vmem>>) semaphore(%arg12 : memref<!tpu.dma_semaphore, #tpu.memory_space<semaphore_mem>>)
    %dma_start3A_64 = arith.constant 3 : i32
    %dma_start3A_65 = arith.constant 384 : i32
    %dma_start3A_66 = arith.constant 0 : i32
    %dma_start3A_67 = tpu.memref_slice %arg10[%dma_start3A_65, %dma_start3A_66] : memref<512x32xf32, #tpu.memory_space<vmem>> -> memref<128x32xf32, #tpu.memory_space<vmem>>
    %dma_start3A_68 = arith.constant 0 : i32
    %dma_start3A_69 = tpu.memref_slice %arg8[%dma_start3A_64, %dma_start3A_68] : memref<4x128xi32, #tpu.memory_space<vmem>> -> memref<1x128xi32, #tpu.memory_space<vmem>>
    %dma_start3A_70 = tpu.memref_squeeze %dma_start3A_69 : memref<1x128xi32, #tpu.memory_space<vmem>> -> memref<128xi32, #tpu.memory_space<vmem>>
    %dma_start3A_71 = arith.constant 0 : i32
    %dma_start3A_72 = arith.constant 0 : i32
    %dma_start3A_73 = tpu.memref_slice %arg2[%dma_start3A_71, %dma_start3A_72] : memref<10000x32xf32, #tpu.memory_space<hbm>> -> memref<10000x32xf32, #tpu.memory_space<hbm>>
    tpu.enqueue_indirect_dma source(%dma_start3A_73 : memref<10000x32xf32, #tpu.memory_space<hbm>>) target(%dma_start3A_67 : memref<128x32xf32, #tpu.memory_space<vmem>>) offsets(%dma_start3A_70 : memref<128xi32, #tpu.memory_space<vmem>>) semaphore(%arg12 : memref<!tpu.dma_semaphore, #tpu.memory_space<semaphore_mem>>)
    %dma_start3A_74 = arith.constant 3 : i32
    %dma_start3A_75 = arith.constant 384 : i32
    %dma_start3A_76 = arith.constant 0 : i32
    %dma_start3A_77 = tpu.memref_slice %arg11[%dma_start3A_75, %dma_start3A_76] : memref<512x32xf32, #tpu.memory_space<vmem>> -> memref<128x32xf32, #tpu.memory_space<vmem>>
    %dma_start3A_78 = arith.constant 0 : i32
    %dma_start3A_79 = tpu.memref_slice %arg9[%dma_start3A_74, %dma_start3A_78] : memref<4x128xi32, #tpu.memory_space<vmem>> -> memref<1x128xi32, #tpu.memory_space<vmem>>
    %dma_start3A_80 = tpu.memref_squeeze %dma_start3A_79 : memref<1x128xi32, #tpu.memory_space<vmem>> -> memref<128xi32, #tpu.memory_space<vmem>>
    %dma_start3A_81 = arith.constant 0 : i32
    %dma_start3A_82 = arith.constant 0 : i32
    %dma_start3A_83 = tpu.memref_slice %arg3[%dma_start3A_81, %dma_start3A_82] : memref<10000x32xf32, #tpu.memory_space<hbm>> -> memref<10000x32xf32, #tpu.memory_space<hbm>>
    tpu.enqueue_indirect_dma source(%dma_start3A_83 : memref<10000x32xf32, #tpu.memory_space<hbm>>) target(%dma_start3A_77 : memref<128x32xf32, #tpu.memory_space<vmem>>) offsets(%dma_start3A_80 : memref<128xi32, #tpu.memory_space<vmem>>) semaphore(%arg12 : memref<!tpu.dma_semaphore, #tpu.memory_space<semaphore_mem>>)
    %dma_wait3A = arith.constant 0 : i32
    %dma_wait3A_84 = arith.constant 0 : i32
    %dma_wait3A_85 = arith.constant 0 : i32
    %dma_wait3A_86 = tpu.memref_slice %arg10[%dma_wait3A_84, %dma_wait3A_85] : memref<512x32xf32, #tpu.memory_space<vmem>> -> memref<128x32xf32, #tpu.memory_space<vmem>>
    %dma_wait3A_87 = arith.constant 0 : i32
    %dma_wait3A_88 = tpu.memref_slice %arg8[%dma_wait3A, %dma_wait3A_87] : memref<4x128xi32, #tpu.memory_space<vmem>> -> memref<1x128xi32, #tpu.memory_space<vmem>>
    %dma_wait3A_89 = tpu.memref_squeeze %dma_wait3A_88 : memref<1x128xi32, #tpu.memory_space<vmem>> -> memref<128xi32, #tpu.memory_space<vmem>>
    %dma_wait3A_90 = arith.constant 0 : i32
    %dma_wait3A_91 = arith.constant 0 : i32
    %dma_wait3A_92 = tpu.memref_slice %arg2[%dma_wait3A_90, %dma_wait3A_91] : memref<10000x32xf32, #tpu.memory_space<hbm>> -> memref<10000x32xf32, #tpu.memory_space<hbm>>
    tpu.wait_indirect_dma semaphore(%arg12 : memref<!tpu.dma_semaphore, #tpu.memory_space<semaphore_mem>>) src(%dma_wait3A_92 : memref<10000x32xf32, #tpu.memory_space<hbm>>) dst(%dma_wait3A_86 : memref<128x32xf32, #tpu.memory_space<vmem>>)
    %dma_wait3A_93 = arith.constant 0 : i32
    %dma_wait3A_94 = arith.constant 0 : i32
    %dma_wait3A_95 = arith.constant 0 : i32
    %dma_wait3A_96 = tpu.memref_slice %arg11[%dma_wait3A_94, %dma_wait3A_95] : memref<512x32xf32, #tpu.memory_space<vmem>> -> memref<128x32xf32, #tpu.memory_space<vmem>>
    %dma_wait3A_97 = arith.constant 0 : i32
    %dma_wait3A_98 = tpu.memref_slice %arg9[%dma_wait3A_93, %dma_wait3A_97] : memref<4x128xi32, #tpu.memory_space<vmem>> -> memref<1x128xi32, #tpu.memory_space<vmem>>
    %dma_wait3A_99 = tpu.memref_squeeze %dma_wait3A_98 : memref<1x128xi32, #tpu.memory_space<vmem>> -> memref<128xi32, #tpu.memory_space<vmem>>
    %dma_wait3A_100 = arith.constant 0 : i32
    %dma_wait3A_101 = arith.constant 0 : i32
    %dma_wait3A_102 = tpu.memref_slice %arg3[%dma_wait3A_100, %dma_wait3A_101] : memref<10000x32xf32, #tpu.memory_space<hbm>> -> memref<10000x32xf32, #tpu.memory_space<hbm>>
    tpu.wait_indirect_dma semaphore(%arg12 : memref<!tpu.dma_semaphore, #tpu.memory_space<semaphore_mem>>) src(%dma_wait3A_102 : memref<10000x32xf32, #tpu.memory_space<hbm>>) dst(%dma_wait3A_96 : memref<128x32xf32, #tpu.memory_space<vmem>>)
    %dma_wait3A_103 = arith.constant 1 : i32
    %dma_wait3A_104 = arith.constant 128 : i32
    %dma_wait3A_105 = arith.constant 0 : i32
    %dma_wait3A_106 = tpu.memref_slice %arg10[%dma_wait3A_104, %dma_wait3A_105] : memref<512x32xf32, #tpu.memory_space<vmem>> -> memref<128x32xf32, #tpu.memory_space<vmem>>
    %dma_wait3A_107 = arith.constant 0 : i32
    %dma_wait3A_108 = tpu.memref_slice %arg8[%dma_wait3A_103, %dma_wait3A_107] : memref<4x128xi32, #tpu.memory_space<vmem>> -> memref<1x128xi32, #tpu.memory_space<vmem>>
    %dma_wait3A_109 = tpu.memref_squeeze %dma_wait3A_108 : memref<1x128xi32, #tpu.memory_space<vmem>> -> memref<128xi32, #tpu.memory_space<vmem>>
    %dma_wait3A_110 = arith.constant 0 : i32
    %dma_wait3A_111 = arith.constant 0 : i32
    %dma_wait3A_112 = tpu.memref_slice %arg2[%dma_wait3A_110, %dma_wait3A_111] : memref<10000x32xf32, #tpu.memory_space<hbm>> -> memref<10000x32xf32, #tpu.memory_space<hbm>>
    tpu.wait_indirect_dma semaphore(%arg12 : memref<!tpu.dma_semaphore, #tpu.memory_space<semaphore_mem>>) src(%dma_wait3A_112 : memref<10000x32xf32, #tpu.memory_space<hbm>>) dst(%dma_wait3A_106 : memref<128x32xf32, #tpu.memory_space<vmem>>)
    %dma_wait3A_113 = arith.constant 1 : i32
    %dma_wait3A_114 = arith.constant 128 : i32
    %dma_wait3A_115 = arith.constant 0 : i32
    %dma_wait3A_116 = tpu.memref_slice %arg11[%dma_wait3A_114, %dma_wait3A_115] : memref<512x32xf32, #tpu.memory_space<vmem>> -> memref<128x32xf32, #tpu.memory_space<vmem>>
    %dma_wait3A_117 = arith.constant 0 : i32
    %dma_wait3A_118 = tpu.memref_slice %arg9[%dma_wait3A_113, %dma_wait3A_117] : memref<4x128xi32, #tpu.memory_space<vmem>> -> memref<1x128xi32, #tpu.memory_space<vmem>>
    %dma_wait3A_119 = tpu.memref_squeeze %dma_wait3A_118 : memref<1x128xi32, #tpu.memory_space<vmem>> -> memref<128xi32, #tpu.memory_space<vmem>>
    %dma_wait3A_120 = arith.constant 0 : i32
    %dma_wait3A_121 = arith.constant 0 : i32
    %dma_wait3A_122 = tpu.memref_slice %arg3[%dma_wait3A_120, %dma_wait3A_121] : memref<10000x32xf32, #tpu.memory_space<hbm>> -> memref<10000x32xf32, #tpu.memory_space<hbm>>
    tpu.wait_indirect_dma semaphore(%arg12 : memref<!tpu.dma_semaphore, #tpu.memory_space<semaphore_mem>>) src(%dma_wait3A_122 : memref<10000x32xf32, #tpu.memory_space<hbm>>) dst(%dma_wait3A_116 : memref<128x32xf32, #tpu.memory_space<vmem>>)
    %dma_wait3A_123 = arith.constant 2 : i32
    %dma_wait3A_124 = arith.constant 256 : i32
    %dma_wait3A_125 = arith.constant 0 : i32
    %dma_wait3A_126 = tpu.memref_slice %arg10[%dma_wait3A_124, %dma_wait3A_125] : memref<512x32xf32, #tpu.memory_space<vmem>> -> memref<128x32xf32, #tpu.memory_space<vmem>>
    %dma_wait3A_127 = arith.constant 0 : i32
    %dma_wait3A_128 = tpu.memref_slice %arg8[%dma_wait3A_123, %dma_wait3A_127] : memref<4x128xi32, #tpu.memory_space<vmem>> -> memref<1x128xi32, #tpu.memory_space<vmem>>
    %dma_wait3A_129 = tpu.memref_squeeze %dma_wait3A_128 : memref<1x128xi32, #tpu.memory_space<vmem>> -> memref<128xi32, #tpu.memory_space<vmem>>
    %dma_wait3A_130 = arith.constant 0 : i32
    %dma_wait3A_131 = arith.constant 0 : i32
    %dma_wait3A_132 = tpu.memref_slice %arg2[%dma_wait3A_130, %dma_wait3A_131] : memref<10000x32xf32, #tpu.memory_space<hbm>> -> memref<10000x32xf32, #tpu.memory_space<hbm>>
    tpu.wait_indirect_dma semaphore(%arg12 : memref<!tpu.dma_semaphore, #tpu.memory_space<semaphore_mem>>) src(%dma_wait3A_132 : memref<10000x32xf32, #tpu.memory_space<hbm>>) dst(%dma_wait3A_126 : memref<128x32xf32, #tpu.memory_space<vmem>>)
    %dma_wait3A_133 = arith.constant 2 : i32
    %dma_wait3A_134 = arith.constant 256 : i32
    %dma_wait3A_135 = arith.constant 0 : i32
    %dma_wait3A_136 = tpu.memref_slice %arg11[%dma_wait3A_134, %dma_wait3A_135] : memref<512x32xf32, #tpu.memory_space<vmem>> -> memref<128x32xf32, #tpu.memory_space<vmem>>
    %dma_wait3A_137 = arith.constant 0 : i32
    %dma_wait3A_138 = tpu.memref_slice %arg9[%dma_wait3A_133, %dma_wait3A_137] : memref<4x128xi32, #tpu.memory_space<vmem>> -> memref<1x128xi32, #tpu.memory_space<vmem>>
    %dma_wait3A_139 = tpu.memref_squeeze %dma_wait3A_138 : memref<1x128xi32, #tpu.memory_space<vmem>> -> memref<128xi32, #tpu.memory_space<vmem>>
    %dma_wait3A_140 = arith.constant 0 : i32
    %dma_wait3A_141 = arith.constant 0 : i32
    %dma_wait3A_142 = tpu.memref_slice %arg3[%dma_wait3A_140, %dma_wait3A_141] : memref<10000x32xf32, #tpu.memory_space<hbm>> -> memref<10000x32xf32, #tpu.memory_space<hbm>>
    tpu.wait_indirect_dma semaphore(%arg12 : memref<!tpu.dma_semaphore, #tpu.memory_space<semaphore_mem>>) src(%dma_wait3A_142 : memref<10000x32xf32, #tpu.memory_space<hbm>>) dst(%dma_wait3A_136 : memref<128x32xf32, #tpu.memory_space<vmem>>)
    %dma_wait3A_143 = arith.constant 3 : i32
    %dma_wait3A_144 = arith.constant 384 : i32
    %dma_wait3A_145 = arith.constant 0 : i32
    %dma_wait3A_146 = tpu.memref_slice %arg10[%dma_wait3A_144, %dma_wait3A_145] : memref<512x32xf32, #tpu.memory_space<vmem>> -> memref<128x32xf32, #tpu.memory_space<vmem>>
    %dma_wait3A_147 = arith.constant 0 : i32
    %dma_wait3A_148 = tpu.memref_slice %arg8[%dma_wait3A_143, %dma_wait3A_147] : memref<4x128xi32, #tpu.memory_space<vmem>> -> memref<1x128xi32, #tpu.memory_space<vmem>>
    %dma_wait3A_149 = tpu.memref_squeeze %dma_wait3A_148 : memref<1x128xi32, #tpu.memory_space<vmem>> -> memref<128xi32, #tpu.memory_space<vmem>>
    %dma_wait3A_150 = arith.constant 0 : i32
    %dma_wait3A_151 = arith.constant 0 : i32
    %dma_wait3A_152 = tpu.memref_slice %arg2[%dma_wait3A_150, %dma_wait3A_151] : memref<10000x32xf32, #tpu.memory_space<hbm>> -> memref<10000x32xf32, #tpu.memory_space<hbm>>
    tpu.wait_indirect_dma semaphore(%arg12 : memref<!tpu.dma_semaphore, #tpu.memory_space<semaphore_mem>>) src(%dma_wait3A_152 : memref<10000x32xf32, #tpu.memory_space<hbm>>) dst(%dma_wait3A_146 : memref<128x32xf32, #tpu.memory_space<vmem>>)
    %dma_wait3A_153 = arith.constant 3 : i32
    %dma_wait3A_154 = arith.constant 384 : i32
    %dma_wait3A_155 = arith.constant 0 : i32
    %dma_wait3A_156 = tpu.memref_slice %arg11[%dma_wait3A_154, %dma_wait3A_155] : memref<512x32xf32, #tpu.memory_space<vmem>> -> memref<128x32xf32, #tpu.memory_space<vmem>>
    %dma_wait3A_157 = arith.constant 0 : i32
    %dma_wait3A_158 = tpu.memref_slice %arg9[%dma_wait3A_153, %dma_wait3A_157] : memref<4x128xi32, #tpu.memory_space<vmem>> -> memref<1x128xi32, #tpu.memory_space<vmem>>
    %dma_wait3A_159 = tpu.memref_squeeze %dma_wait3A_158 : memref<1x128xi32, #tpu.memory_space<vmem>> -> memref<128xi32, #tpu.memory_space<vmem>>
    %dma_wait3A_160 = arith.constant 0 : i32
    %dma_wait3A_161 = arith.constant 0 : i32
    %dma_wait3A_162 = tpu.memref_slice %arg3[%dma_wait3A_160, %dma_wait3A_161] : memref<10000x32xf32, #tpu.memory_space<hbm>> -> memref<10000x32xf32, #tpu.memory_space<hbm>>
    tpu.wait_indirect_dma semaphore(%arg12 : memref<!tpu.dma_semaphore, #tpu.memory_space<semaphore_mem>>) src(%dma_wait3A_162 : memref<10000x32xf32, #tpu.memory_space<hbm>>) dst(%dma_wait3A_156 : memref<128x32xf32, #tpu.memory_space<vmem>>)
    %mul3A_163 = arith.constant 512 : i32
    %mul3A_164 = arith.muli %add3A, %mul3A_163 : i32
    "tpu.region"() ({
      %run_scoped3A = tpu.sem_alloc : memref<!tpu.dma_semaphore, #tpu.memory_space<semaphore_mem>>
      %dma_start3A_167 = arith.constant 0 : i32
      %dma_start3A_168 = tpu.memref_slice %arg6[%mul3A_164, %dma_start3A_167] : memref<16384x32xf32, #tpu.memory_space<hbm>> -> memref<512x32xf32, #tpu.memory_space<hbm>>
      %dma_start3A_169 = arith.constant 0 : i32
      %dma_start3A_170 = tpu.memref_slice %arg6[%mul3A_164, %dma_start3A_169] : memref<16384x32xf32, #tpu.memory_space<hbm>> -> memref<512x32xf32, #tpu.memory_space<hbm>>
      tpu.enqueue_dma source(%arg10 : memref<512x32xf32, #tpu.memory_space<vmem>>) target(%dma_start3A_170 : memref<512x32xf32, #tpu.memory_space<hbm>>) target_semaphore(%run_scoped3A : memref<!tpu.dma_semaphore, #tpu.memory_space<semaphore_mem>>)
      %dma_wait3A_171 = arith.constant 0 : i32
      %dma_wait3A_172 = tpu.memref_slice %arg6[%mul3A_164, %dma_wait3A_171] : memref<16384x32xf32, #tpu.memory_space<hbm>> -> memref<512x32xf32, #tpu.memory_space<hbm>>
      %dma_wait3A_173 = arith.constant 0 : i32
      %dma_wait3A_174 = tpu.memref_slice %arg6[%mul3A_164, %dma_wait3A_173] : memref<16384x32xf32, #tpu.memory_space<hbm>> -> memref<512x32xf32, #tpu.memory_space<hbm>>
      tpu.wait_dma2 semaphore(%run_scoped3A : memref<!tpu.dma_semaphore, #tpu.memory_space<semaphore_mem>>) src(%arg10 : memref<512x32xf32, #tpu.memory_space<vmem>>) dst(%dma_wait3A_174 : memref<512x32xf32, #tpu.memory_space<hbm>>)
      tpu.yield
    }) : () -> ()
    %mul3A_165 = arith.constant 512 : i32
    %mul3A_166 = arith.muli %add3A, %mul3A_165 : i32
    "tpu.region"() ({
      %run_scoped3A = tpu.sem_alloc : memref<!tpu.dma_semaphore, #tpu.memory_space<semaphore_mem>>
      %dma_start3A_167 = arith.constant 0 : i32
      %dma_start3A_168 = tpu.memref_slice %arg7[%mul3A_166, %dma_start3A_167] : memref<16384x32xf32, #tpu.memory_space<hbm>> -> memref<512x32xf32, #tpu.memory_space<hbm>>
      %dma_start3A_169 = arith.constant 0 : i32
      %dma_start3A_170 = tpu.memref_slice %arg7[%mul3A_166, %dma_start3A_169] : memref<16384x32xf32, #tpu.memory_space<hbm>> -> memref<512x32xf32, #tpu.memory_space<hbm>>
      tpu.enqueue_dma source(%arg11 : memref<512x32xf32, #tpu.memory_space<vmem>>) target(%dma_start3A_170 : memref<512x32xf32, #tpu.memory_space<hbm>>) target_semaphore(%run_scoped3A : memref<!tpu.dma_semaphore, #tpu.memory_space<semaphore_mem>>)
      %dma_wait3A_171 = arith.constant 0 : i32
      %dma_wait3A_172 = tpu.memref_slice %arg7[%mul3A_166, %dma_wait3A_171] : memref<16384x32xf32, #tpu.memory_space<hbm>> -> memref<512x32xf32, #tpu.memory_space<hbm>>
      %dma_wait3A_173 = arith.constant 0 : i32
      %dma_wait3A_174 = tpu.memref_slice %arg7[%mul3A_166, %dma_wait3A_173] : memref<16384x32xf32, #tpu.memory_space<hbm>> -> memref<512x32xf32, #tpu.memory_space<hbm>>
      tpu.wait_dma2 semaphore(%run_scoped3A : memref<!tpu.dma_semaphore, #tpu.memory_space<semaphore_mem>>) src(%arg11 : memref<512x32xf32, #tpu.memory_space<vmem>>) dst(%dma_wait3A_174 : memref<512x32xf32, #tpu.memory_space<hbm>>)
      tpu.yield
    }) : () -> ()
    return
  }
}

#map = affine_map<(d0, d1) -> (0, 0)>
module attributes {stable_mosaic.version = 14 : i64} {
  func.func @gather(%arg0: i32, %arg1: i32, %arg2: memref<10000x32xf32, #tpu.memory_space<hbm>>, %arg3: memref<10000x32xf32, #tpu.memory_space<hbm>>, %arg4: memref<128x128xi32, #tpu.memory_space<hbm>>, %arg5: memref<128x128xi32, #tpu.memory_space<hbm>>, %arg6: memref<16384x32xf32, #tpu.memory_space<hbm>>, %arg7: memref<16384x32xf32, #tpu.memory_space<hbm>>, %arg8: memref<4x128xi32, #tpu.memory_space<vmem>>, %arg9: memref<4x128xi32, #tpu.memory_space<vmem>>, %arg10: memref<512x32xf32, #tpu.memory_space<vmem>>, %arg11: memref<512x32xf32, #tpu.memory_space<vmem>>, %arg12: memref<!tpu.dma_semaphore, #tpu.memory_space<semaphore_mem>>) attributes {dimension_semantics = [#tpu.dimension_semantics<core_parallel>, #tpu.dimension_semantics<subcore_parallel>], iteration_bounds = array<i64: 2, 16>, scalar_prefetch = 0 : i64, scratch_operands = 5 : i64, tpu.core_type = #tpu.core_type<sc_vector_subcore>, window_params = [{transform_indices = #map}, {transform_indices = #map}, {transform_indices = #map}, {transform_indices = #map}, {transform_indices = #map}, {transform_indices = #map}]} {
    %mul3A = arith.constant 2 : i32
    %mul3A_0 = arith.muli %arg1, %mul3A : i32
    %add3A = arith.addi %mul3A_0, %arg0 : i32
    %mul3A_1 = arith.constant 4 : i32
    %mul3A_2 = arith.muli %add3A, %mul3A_1 : i32
    "tpu.region"() ({
      %run_scoped3A = tpu.sem_alloc : memref<!tpu.dma_semaphore, #tpu.memory_space<semaphore_mem>>
      %dma_start3A_167 = arith.constant 0 : i32
      %dma_start3A_168 = tpu.memref_slice %arg4[%mul3A_2, %dma_start3A_167] : memref<128x128xi32, #tpu.memory_space<hbm>> -> memref<4x128xi32, #tpu.memory_space<hbm>>
      %dma_start3A_169 = arith.constant 0 : i32
      %dma_start3A_170 = tpu.memref_slice %arg4[%mul3A_2, %dma_start3A_169] : memref<128x128xi32, #tpu.memory_space<hbm>> -> memref<4x128xi32, #tpu.memory_space<hbm>>
      tpu.enqueue_dma source(%dma_start3A_170 : memref<4x128xi32, #tpu.memory_space<hbm>>) target(%arg8 : memref<4x128xi32, #tpu.memory_space<vmem>>) target_semaphore(%run_scoped3A : memref<!tpu.dma_semaphore, #tpu.memory_space<semaphore_mem>>)
      %dma_wait3A_171 = arith.constant 0 : i32
      %dma_wait3A_172 = tpu.memref_slice %arg4[%mul3A_2, %dma_wait3A_171] : memref<128x128xi32, #tpu.memory_space<hbm>> -> memref<4x128xi32, #tpu.memory_space<hbm>>
      %dma_wait3A_173 = arith.constant 0 : i32
      %dma_wait3A_174 = tpu.memref_slice %arg4[%mul3A_2, %dma_wait3A_173] : memref<128x128xi32, #tpu.memory_space<hbm>> -> memref<4x128xi32, #tpu.memory_space<hbm>>
      tpu.wait_dma2 semaphore(%run_scoped3A : memref<!tpu.dma_semaphore, #tpu.memory_space<semaphore_mem>>) src(%dma_wait3A_174 : memref<4x128xi32, #tpu.memory_space<hbm>>) dst(%arg8 : memref<4x128xi32, #tpu.memory_space<vmem>>)
      tpu.yield
    }) : () -> ()
    %mul3A_3 = arith.constant 4 : i32
    %mul3A_4 = arith.muli %add3A, %mul3A_3 : i32
    "tpu.region"() ({
      %run_scoped3A = tpu.sem_alloc : memref<!tpu.dma_semaphore, #tpu.memory_space<semaphore_mem>>
      %dma_start3A_167 = arith.constant 0 : i32
      %dma_start3A_168 = tpu.memref_slice %arg5[%mul3A_4, %dma_start3A_167] : memref<128x128xi32, #tpu.memory_space<hbm>> -> memref<4x128xi32, #tpu.memory_space<hbm>>
      %dma_start3A_169 = arith.constant 0 : i32
      %dma_start3A_170 = tpu.memref_slice %arg5[%mul3A_4, %dma_start3A_169] : memref<128x128xi32, #tpu.memory_space<hbm>> -> memref<4x128xi32, #tpu.memory_space<hbm>>
      tpu.enqueue_dma source(%dma_start3A_170 : memref<4x128xi32, #tpu.memory_space<hbm>>) target(%arg9 : memref<4x128xi32, #tpu.memory_space<vmem>>) target_semaphore(%run_scoped3A : memref<!tpu.dma_semaphore, #tpu.memory_space<semaphore_mem>>)
      %dma_wait3A_171 = arith.constant 0 : i32
      %dma_wait3A_172 = tpu.memref_slice %arg5[%mul3A_4, %dma_wait3A_171] : memref<128x128xi32, #tpu.memory_space<hbm>> -> memref<4x128xi32, #tpu.memory_space<hbm>>
      %dma_wait3A_173 = arith.constant 0 : i32
      %dma_wait3A_174 = tpu.memref_slice %arg5[%mul3A_4, %dma_wait3A_173] : memref<128x128xi32, #tpu.memory_space<hbm>> -> memref<4x128xi32, #tpu.memory_space<hbm>>
      tpu.wait_dma2 semaphore(%run_scoped3A : memref<!tpu.dma_semaphore, #tpu.memory_space<semaphore_mem>>) src(%dma_wait3A_174 : memref<4x128xi32, #tpu.memory_space<hbm>>) dst(%arg9 : memref<4x128xi32, #tpu.memory_space<vmem>>)
      tpu.yield
    }) : () -> ()
    %dma_start3A = arith.constant 0 : i32
    %dma_start3A_5 = arith.constant 0 : i32
    %dma_start3A_6 = arith.constant 0 : i32
    %dma_start3A_7 = tpu.memref_slice %arg10[%dma_start3A_5, %dma_start3A_6] : memref<512x32xf32, #tpu.memory_space<vmem>> -> memref<128x32xf32, #tpu.memory_space<vmem>>
    %dma_start3A_8 = arith.constant 0 : i32
    %dma_start3A_9 = tpu.memref_slice %arg8[%dma_start3A, %dma_start3A_8] : memref<4x128xi32, #tpu.memory_space<vmem>> -> memref<1x128xi32, #tpu.memory_space<vmem>>
    %dma_start3A_10 = tpu.memref_squeeze %dma_start3A_9 : memref<1x128xi32, #tpu.memory_space<vmem>> -> memref<128xi32, #tpu.memory_space<vmem>>
    %dma_start3A_11 = arith.constant 0 : i32
    %dma_start3A_12 = arith.constant 0 : i32
    %dma_start3A_13 = tpu.memref_slice %arg2[%dma_start3A_11, %dma_start3A_12] : memref<10000x32xf32, #tpu.memory_space<hbm>> -> memref<10000x32xf32, #tpu.memory_space<hbm>>
    tpu.enqueue_indirect_dma source(%dma_start3A_13 : memref<10000x32xf32, #tpu.memory_space<hbm>>) target(%dma_start3A_7 : memref<128x32xf32, #tpu.memory_space<vmem>>) offsets(%dma_start3A_10 : memref<128xi32, #tpu.memory_space<vmem>>) semaphore(%arg12 : memref<!tpu.dma_semaphore, #tpu.memory_space<semaphore_mem>>)
    %dma_start3A_14 = arith.constant 0 : i32
    %dma_start3A_15 = arith.constant 0 : i32
    %dma_start3A_16 = arith.constant 0 : i32
    %dma_start3A_17 = tpu.memref_slice %arg11[%dma_start3A_15, %dma_start3A_16] : memref<512x32xf32, #tpu.memory_space<vmem>> -> memref<128x32xf32, #tpu.memory_space<vmem>>
    %dma_start3A_18 = arith.constant 0 : i32
    %dma_start3A_19 = tpu.memref_slice %arg9[%dma_start3A_14, %dma_start3A_18] : memref<4x128xi32, #tpu.memory_space<vmem>> -> memref<1x128xi32, #tpu.memory_space<vmem>>
    %dma_start3A_20 = tpu.memref_squeeze %dma_start3A_19 : memref<1x128xi32, #tpu.memory_space<vmem>> -> memref<128xi32, #tpu.memory_space<vmem>>
    %dma_start3A_21 = arith.constant 0 : i32
    %dma_start3A_22 = arith.constant 0 : i32
    %dma_start3A_23 = tpu.memref_slice %arg3[%dma_start3A_21, %dma_start3A_22] : memref<10000x32xf32, #tpu.memory_space<hbm>> -> memref<10000x32xf32, #tpu.memory_space<hbm>>
    tpu.enqueue_indirect_dma source(%dma_start3A_23 : memref<10000x32xf32, #tpu.memory_space<hbm>>) target(%dma_start3A_17 : memref<128x32xf32, #tpu.memory_space<vmem>>) offsets(%dma_start3A_20 : memref<128xi32, #tpu.memory_space<vmem>>) semaphore(%arg12 : memref<!tpu.dma_semaphore, #tpu.memory_space<semaphore_mem>>)
    %dma_start3A_24 = arith.constant 1 : i32
    %dma_start3A_25 = arith.constant 128 : i32
    %dma_start3A_26 = arith.constant 0 : i32
    %dma_start3A_27 = tpu.memref_slice %arg10[%dma_start3A_25, %dma_start3A_26] : memref<512x32xf32, #tpu.memory_space<vmem>> -> memref<128x32xf32, #tpu.memory_space<vmem>>
    %dma_start3A_28 = arith.constant 0 : i32
    %dma_start3A_29 = tpu.memref_slice %arg8[%dma_start3A_24, %dma_start3A_28] : memref<4x128xi32, #tpu.memory_space<vmem>> -> memref<1x128xi32, #tpu.memory_space<vmem>>
    %dma_start3A_30 = tpu.memref_squeeze %dma_start3A_29 : memref<1x128xi32, #tpu.memory_space<vmem>> -> memref<128xi32, #tpu.memory_space<vmem>>
    %dma_start3A_31 = arith.constant 0 : i32
    %dma_start3A_32 = arith.constant 0 : i32
    %dma_start3A_33 = tpu.memref_slice %arg2[%dma_start3A_31, %dma_start3A_32] : memref<10000x32xf32, #tpu.memory_space<hbm>> -> memref<10000x32xf32, #tpu.memory_space<hbm>>
    tpu.enqueue_indirect_dma source(%dma_start3A_33 : memref<10000x32xf32, #tpu.memory_space<hbm>>) target(%dma_start3A_27 : memref<128x32xf32, #tpu.memory_space<vmem>>) offsets(%dma_start3A_30 : memref<128xi32, #tpu.memory_space<vmem>>) semaphore(%arg12 : memref<!tpu.dma_semaphore, #tpu.memory_space<semaphore_mem>>)
    %dma_start3A_34 = arith.constant 1 : i32
    %dma_start3A_35 = arith.constant 128 : i32
    %dma_start3A_36 = arith.constant 0 : i32
    %dma_start3A_37 = tpu.memref_slice %arg11[%dma_start3A_35, %dma_start3A_36] : memref<512x32xf32, #tpu.memory_space<vmem>> -> memref<128x32xf32, #tpu.memory_space<vmem>>
    %dma_start3A_38 = arith.constant 0 : i32
    %dma_start3A_39 = tpu.memref_slice %arg9[%dma_start3A_34, %dma_start3A_38] : memref<4x128xi32, #tpu.memory_space<vmem>> -> memref<1x128xi32, #tpu.memory_space<vmem>>
    %dma_start3A_40 = tpu.memref_squeeze %dma_start3A_39 : memref<1x128xi32, #tpu.memory_space<vmem>> -> memref<128xi32, #tpu.memory_space<vmem>>
    %dma_start3A_41 = arith.constant 0 : i32
    %dma_start3A_42 = arith.constant 0 : i32
    %dma_start3A_43 = tpu.memref_slice %arg3[%dma_start3A_41, %dma_start3A_42] : memref<10000x32xf32, #tpu.memory_space<hbm>> -> memref<10000x32xf32, #tpu.memory_space<hbm>>
    tpu.enqueue_indirect_dma source(%dma_start3A_43 : memref<10000x32xf32, #tpu.memory_space<hbm>>) target(%dma_start3A_37 : memref<128x32xf32, #tpu.memory_space<vmem>>) offsets(%dma_start3A_40 : memref<128xi32, #tpu.memory_space<vmem>>) semaphore(%arg12 : memref<!tpu.dma_semaphore, #tpu.memory_space<semaphore_mem>>)
    %dma_start3A_44 = arith.constant 2 : i32
    %dma_start3A_45 = arith.constant 256 : i32
    %dma_start3A_46 = arith.constant 0 : i32
    %dma_start3A_47 = tpu.memref_slice %arg10[%dma_start3A_45, %dma_start3A_46] : memref<512x32xf32, #tpu.memory_space<vmem>> -> memref<128x32xf32, #tpu.memory_space<vmem>>
    %dma_start3A_48 = arith.constant 0 : i32
    %dma_start3A_49 = tpu.memref_slice %arg8[%dma_start3A_44, %dma_start3A_48] : memref<4x128xi32, #tpu.memory_space<vmem>> -> memref<1x128xi32, #tpu.memory_space<vmem>>
    %dma_start3A_50 = tpu.memref_squeeze %dma_start3A_49 : memref<1x128xi32, #tpu.memory_space<vmem>> -> memref<128xi32, #tpu.memory_space<vmem>>
    %dma_start3A_51 = arith.constant 0 : i32
    %dma_start3A_52 = arith.constant 0 : i32
    %dma_start3A_53 = tpu.memref_slice %arg2[%dma_start3A_51, %dma_start3A_52] : memref<10000x32xf32, #tpu.memory_space<hbm>> -> memref<10000x32xf32, #tpu.memory_space<hbm>>
    tpu.enqueue_indirect_dma source(%dma_start3A_53 : memref<10000x32xf32, #tpu.memory_space<hbm>>) target(%dma_start3A_47 : memref<128x32xf32, #tpu.memory_space<vmem>>) offsets(%dma_start3A_50 : memref<128xi32, #tpu.memory_space<vmem>>) semaphore(%arg12 : memref<!tpu.dma_semaphore, #tpu.memory_space<semaphore_mem>>)
    %dma_start3A_54 = arith.constant 2 : i32
    %dma_start3A_55 = arith.constant 256 : i32
    %dma_start3A_56 = arith.constant 0 : i32
    %dma_start3A_57 = tpu.memref_slice %arg11[%dma_start3A_55, %dma_start3A_56] : memref<512x32xf32, #tpu.memory_space<vmem>> -> memref<128x32xf32, #tpu.memory_space<vmem>>
    %dma_start3A_58 = arith.constant 0 : i32
    %dma_start3A_59 = tpu.memref_slice %arg9[%dma_start3A_54, %dma_start3A_58] : memref<4x128xi32, #tpu.memory_space<vmem>> -> memref<1x128xi32, #tpu.memory_space<vmem>>
    %dma_start3A_60 = tpu.memref_squeeze %dma_start3A_59 : memref<1x128xi32, #tpu.memory_space<vmem>> -> memref<128xi32, #tpu.memory_space<vmem>>
    %dma_start3A_61 = arith.constant 0 : i32
    %dma_start3A_62 = arith.constant 0 : i32
    %dma_start3A_63 = tpu.memref_slice %arg3[%dma_start3A_61, %dma_start3A_62] : memref<10000x32xf32, #tpu.memory_space<hbm>> -> memref<10000x32xf32, #tpu.memory_space<hbm>>
    tpu.enqueue_indirect_dma source(%dma_start3A_63 : memref<10000x32xf32, #tpu.memory_space<hbm>>) target(%dma_start3A_57 : memref<128x32xf32, #tpu.memory_space<vmem>>) offsets(%dma_start3A_60 : memref<128xi32, #tpu.memory_space<vmem>>) semaphore(%arg12 : memref<!tpu.dma_semaphore, #tpu.memory_space<semaphore_mem>>)
    %dma_start3A_64 = arith.constant 3 : i32
    %dma_start3A_65 = arith.constant 384 : i32
    %dma_start3A_66 = arith.constant 0 : i32
    %dma_start3A_67 = tpu.memref_slice %arg10[%dma_start3A_65, %dma_start3A_66] : memref<512x32xf32, #tpu.memory_space<vmem>> -> memref<128x32xf32, #tpu.memory_space<vmem>>
    %dma_start3A_68 = arith.constant 0 : i32
    %dma_start3A_69 = tpu.memref_slice %arg8[%dma_start3A_64, %dma_start3A_68] : memref<4x128xi32, #tpu.memory_space<vmem>> -> memref<1x128xi32, #tpu.memory_space<vmem>>
    %dma_start3A_70 = tpu.memref_squeeze %dma_start3A_69 : memref<1x128xi32, #tpu.memory_space<vmem>> -> memref<128xi32, #tpu.memory_space<vmem>>
    %dma_start3A_71 = arith.constant 0 : i32
    %dma_start3A_72 = arith.constant 0 : i32
    %dma_start3A_73 = tpu.memref_slice %arg2[%dma_start3A_71, %dma_start3A_72] : memref<10000x32xf32, #tpu.memory_space<hbm>> -> memref<10000x32xf32, #tpu.memory_space<hbm>>
    tpu.enqueue_indirect_dma source(%dma_start3A_73 : memref<10000x32xf32, #tpu.memory_space<hbm>>) target(%dma_start3A_67 : memref<128x32xf32, #tpu.memory_space<vmem>>) offsets(%dma_start3A_70 : memref<128xi32, #tpu.memory_space<vmem>>) semaphore(%arg12 : memref<!tpu.dma_semaphore, #tpu.memory_space<semaphore_mem>>)
    %dma_start3A_74 = arith.constant 3 : i32
    %dma_start3A_75 = arith.constant 384 : i32
    %dma_start3A_76 = arith.constant 0 : i32
    %dma_start3A_77 = tpu.memref_slice %arg11[%dma_start3A_75, %dma_start3A_76] : memref<512x32xf32, #tpu.memory_space<vmem>> -> memref<128x32xf32, #tpu.memory_space<vmem>>
    %dma_start3A_78 = arith.constant 0 : i32
    %dma_start3A_79 = tpu.memref_slice %arg9[%dma_start3A_74, %dma_start3A_78] : memref<4x128xi32, #tpu.memory_space<vmem>> -> memref<1x128xi32, #tpu.memory_space<vmem>>
    %dma_start3A_80 = tpu.memref_squeeze %dma_start3A_79 : memref<1x128xi32, #tpu.memory_space<vmem>> -> memref<128xi32, #tpu.memory_space<vmem>>
    %dma_start3A_81 = arith.constant 0 : i32
    %dma_start3A_82 = arith.constant 0 : i32
    %dma_start3A_83 = tpu.memref_slice %arg3[%dma_start3A_81, %dma_start3A_82] : memref<10000x32xf32, #tpu.memory_space<hbm>> -> memref<10000x32xf32, #tpu.memory_space<hbm>>
    tpu.enqueue_indirect_dma source(%dma_start3A_83 : memref<10000x32xf32, #tpu.memory_space<hbm>>) target(%dma_start3A_77 : memref<128x32xf32, #tpu.memory_space<vmem>>) offsets(%dma_start3A_80 : memref<128xi32, #tpu.memory_space<vmem>>) semaphore(%arg12 : memref<!tpu.dma_semaphore, #tpu.memory_space<semaphore_mem>>)
    %dma_wait3A = arith.constant 0 : i32
    %dma_wait3A_84 = arith.constant 0 : i32
    %dma_wait3A_85 = arith.constant 0 : i32
    %dma_wait3A_86 = tpu.memref_slice %arg10[%dma_wait3A_84, %dma_wait3A_85] : memref<512x32xf32, #tpu.memory_space<vmem>> -> memref<128x32xf32, #tpu.memory_space<vmem>>
    %dma_wait3A_87 = arith.constant 0 : i32
    %dma_wait3A_88 = tpu.memref_slice %arg8[%dma_wait3A, %dma_wait3A_87] : memref<4x128xi32, #tpu.memory_space<vmem>> -> memref<1x128xi32, #tpu.memory_space<vmem>>
    %dma_wait3A_89 = tpu.memref_squeeze %dma_wait3A_88 : memref<1x128xi32, #tpu.memory_space<vmem>> -> memref<128xi32, #tpu.memory_space<vmem>>
    %dma_wait3A_90 = arith.constant 0 : i32
    %dma_wait3A_91 = arith.constant 0 : i32
    %dma_wait3A_92 = tpu.memref_slice %arg2[%dma_wait3A_90, %dma_wait3A_91] : memref<10000x32xf32, #tpu.memory_space<hbm>> -> memref<10000x32xf32, #tpu.memory_space<hbm>>
    tpu.wait_indirect_dma semaphore(%arg12 : memref<!tpu.dma_semaphore, #tpu.memory_space<semaphore_mem>>) src(%dma_wait3A_92 : memref<10000x32xf32, #tpu.memory_space<hbm>>) dst(%dma_wait3A_86 : memref<128x32xf32, #tpu.memory_space<vmem>>)
    %dma_wait3A_93 = arith.constant 0 : i32
    %dma_wait3A_94 = arith.constant 0 : i32
    %dma_wait3A_95 = arith.constant 0 : i32
    %dma_wait3A_96 = tpu.memref_slice %arg11[%dma_wait3A_94, %dma_wait3A_95] : memref<512x32xf32, #tpu.memory_space<vmem>> -> memref<128x32xf32, #tpu.memory_space<vmem>>
    %dma_wait3A_97 = arith.constant 0 : i32
    %dma_wait3A_98 = tpu.memref_slice %arg9[%dma_wait3A_93, %dma_wait3A_97] : memref<4x128xi32, #tpu.memory_space<vmem>> -> memref<1x128xi32, #tpu.memory_space<vmem>>
    %dma_wait3A_99 = tpu.memref_squeeze %dma_wait3A_98 : memref<1x128xi32, #tpu.memory_space<vmem>> -> memref<128xi32, #tpu.memory_space<vmem>>
    %dma_wait3A_100 = arith.constant 0 : i32
    %dma_wait3A_101 = arith.constant 0 : i32
    %dma_wait3A_102 = tpu.memref_slice %arg3[%dma_wait3A_100, %dma_wait3A_101] : memref<10000x32xf32, #tpu.memory_space<hbm>> -> memref<10000x32xf32, #tpu.memory_space<hbm>>
    tpu.wait_indirect_dma semaphore(%arg12 : memref<!tpu.dma_semaphore, #tpu.memory_space<semaphore_mem>>) src(%dma_wait3A_102 : memref<10000x32xf32, #tpu.memory_space<hbm>>) dst(%dma_wait3A_96 : memref<128x32xf32, #tpu.memory_space<vmem>>)
    %dma_wait3A_103 = arith.constant 1 : i32
    %dma_wait3A_104 = arith.constant 128 : i32
    %dma_wait3A_105 = arith.constant 0 : i32
    %dma_wait3A_106 = tpu.memref_slice %arg10[%dma_wait3A_104, %dma_wait3A_105] : memref<512x32xf32, #tpu.memory_space<vmem>> -> memref<128x32xf32, #tpu.memory_space<vmem>>
    %dma_wait3A_107 = arith.constant 0 : i32
    %dma_wait3A_108 = tpu.memref_slice %arg8[%dma_wait3A_103, %dma_wait3A_107] : memref<4x128xi32, #tpu.memory_space<vmem>> -> memref<1x128xi32, #tpu.memory_space<vmem>>
    %dma_wait3A_109 = tpu.memref_squeeze %dma_wait3A_108 : memref<1x128xi32, #tpu.memory_space<vmem>> -> memref<128xi32, #tpu.memory_space<vmem>>
    %dma_wait3A_110 = arith.constant 0 : i32
    %dma_wait3A_111 = arith.constant 0 : i32
    %dma_wait3A_112 = tpu.memref_slice %arg2[%dma_wait3A_110, %dma_wait3A_111] : memref<10000x32xf32, #tpu.memory_space<hbm>> -> memref<10000x32xf32, #tpu.memory_space<hbm>>
    tpu.wait_indirect_dma semaphore(%arg12 : memref<!tpu.dma_semaphore, #tpu.memory_space<semaphore_mem>>) src(%dma_wait3A_112 : memref<10000x32xf32, #tpu.memory_space<hbm>>) dst(%dma_wait3A_106 : memref<128x32xf32, #tpu.memory_space<vmem>>)
    %dma_wait3A_113 = arith.constant 1 : i32
    %dma_wait3A_114 = arith.constant 128 : i32
    %dma_wait3A_115 = arith.constant 0 : i32
    %dma_wait3A_116 = tpu.memref_slice %arg11[%dma_wait3A_114, %dma_wait3A_115] : memref<512x32xf32, #tpu.memory_space<vmem>> -> memref<128x32xf32, #tpu.memory_space<vmem>>
    %dma_wait3A_117 = arith.constant 0 : i32
    %dma_wait3A_118 = tpu.memref_slice %arg9[%dma_wait3A_113, %dma_wait3A_117] : memref<4x128xi32, #tpu.memory_space<vmem>> -> memref<1x128xi32, #tpu.memory_space<vmem>>
    %dma_wait3A_119 = tpu.memref_squeeze %dma_wait3A_118 : memref<1x128xi32, #tpu.memory_space<vmem>> -> memref<128xi32, #tpu.memory_space<vmem>>
    %dma_wait3A_120 = arith.constant 0 : i32
    %dma_wait3A_121 = arith.constant 0 : i32
    %dma_wait3A_122 = tpu.memref_slice %arg3[%dma_wait3A_120, %dma_wait3A_121] : memref<10000x32xf32, #tpu.memory_space<hbm>> -> memref<10000x32xf32, #tpu.memory_space<hbm>>
    tpu.wait_indirect_dma semaphore(%arg12 : memref<!tpu.dma_semaphore, #tpu.memory_space<semaphore_mem>>) src(%dma_wait3A_122 : memref<10000x32xf32, #tpu.memory_space<hbm>>) dst(%dma_wait3A_116 : memref<128x32xf32, #tpu.memory_space<vmem>>)
    %dma_wait3A_123 = arith.constant 2 : i32
    %dma_wait3A_124 = arith.constant 256 : i32
    %dma_wait3A_125 = arith.constant 0 : i32
    %dma_wait3A_126 = tpu.memref_slice %arg10[%dma_wait3A_124, %dma_wait3A_125] : memref<512x32xf32, #tpu.memory_space<vmem>> -> memref<128x32xf32, #tpu.memory_space<vmem>>
    %dma_wait3A_127 = arith.constant 0 : i32
    %dma_wait3A_128 = tpu.memref_slice %arg8[%dma_wait3A_123, %dma_wait3A_127] : memref<4x128xi32, #tpu.memory_space<vmem>> -> memref<1x128xi32, #tpu.memory_space<vmem>>
    %dma_wait3A_129 = tpu.memref_squeeze %dma_wait3A_128 : memref<1x128xi32, #tpu.memory_space<vmem>> -> memref<128xi32, #tpu.memory_space<vmem>>
    %dma_wait3A_130 = arith.constant 0 : i32
    %dma_wait3A_131 = arith.constant 0 : i32
    %dma_wait3A_132 = tpu.memref_slice %arg2[%dma_wait3A_130, %dma_wait3A_131] : memref<10000x32xf32, #tpu.memory_space<hbm>> -> memref<10000x32xf32, #tpu.memory_space<hbm>>
    tpu.wait_indirect_dma semaphore(%arg12 : memref<!tpu.dma_semaphore, #tpu.memory_space<semaphore_mem>>) src(%dma_wait3A_132 : memref<10000x32xf32, #tpu.memory_space<hbm>>) dst(%dma_wait3A_126 : memref<128x32xf32, #tpu.memory_space<vmem>>)
    %dma_wait3A_133 = arith.constant 2 : i32
    %dma_wait3A_134 = arith.constant 256 : i32
    %dma_wait3A_135 = arith.constant 0 : i32
    %dma_wait3A_136 = tpu.memref_slice %arg11[%dma_wait3A_134, %dma_wait3A_135] : memref<512x32xf32, #tpu.memory_space<vmem>> -> memref<128x32xf32, #tpu.memory_space<vmem>>
    %dma_wait3A_137 = arith.constant 0 : i32
    %dma_wait3A_138 = tpu.memref_slice %arg9[%dma_wait3A_133, %dma_wait3A_137] : memref<4x128xi32, #tpu.memory_space<vmem>> -> memref<1x128xi32, #tpu.memory_space<vmem>>
    %dma_wait3A_139 = tpu.memref_squeeze %dma_wait3A_138 : memref<1x128xi32, #tpu.memory_space<vmem>> -> memref<128xi32, #tpu.memory_space<vmem>>
    %dma_wait3A_140 = arith.constant 0 : i32
    %dma_wait3A_141 = arith.constant 0 : i32
    %dma_wait3A_142 = tpu.memref_slice %arg3[%dma_wait3A_140, %dma_wait3A_141] : memref<10000x32xf32, #tpu.memory_space<hbm>> -> memref<10000x32xf32, #tpu.memory_space<hbm>>
    tpu.wait_indirect_dma semaphore(%arg12 : memref<!tpu.dma_semaphore, #tpu.memory_space<semaphore_mem>>) src(%dma_wait3A_142 : memref<10000x32xf32, #tpu.memory_space<hbm>>) dst(%dma_wait3A_136 : memref<128x32xf32, #tpu.memory_space<vmem>>)
    %dma_wait3A_143 = arith.constant 3 : i32
    %dma_wait3A_144 = arith.constant 384 : i32
    %dma_wait3A_145 = arith.constant 0 : i32
    %dma_wait3A_146 = tpu.memref_slice %arg10[%dma_wait3A_144, %dma_wait3A_145] : memref<512x32xf32, #tpu.memory_space<vmem>> -> memref<128x32xf32, #tpu.memory_space<vmem>>
    %dma_wait3A_147 = arith.constant 0 : i32
    %dma_wait3A_148 = tpu.memref_slice %arg8[%dma_wait3A_143, %dma_wait3A_147] : memref<4x128xi32, #tpu.memory_space<vmem>> -> memref<1x128xi32, #tpu.memory_space<vmem>>
    %dma_wait3A_149 = tpu.memref_squeeze %dma_wait3A_148 : memref<1x128xi32, #tpu.memory_space<vmem>> -> memref<128xi32, #tpu.memory_space<vmem>>
    %dma_wait3A_150 = arith.constant 0 : i32
    %dma_wait3A_151 = arith.constant 0 : i32
    %dma_wait3A_152 = tpu.memref_slice %arg2[%dma_wait3A_150, %dma_wait3A_151] : memref<10000x32xf32, #tpu.memory_space<hbm>> -> memref<10000x32xf32, #tpu.memory_space<hbm>>
    tpu.wait_indirect_dma semaphore(%arg12 : memref<!tpu.dma_semaphore, #tpu.memory_space<semaphore_mem>>) src(%dma_wait3A_152 : memref<10000x32xf32, #tpu.memory_space<hbm>>) dst(%dma_wait3A_146 : memref<128x32xf32, #tpu.memory_space<vmem>>)
    %dma_wait3A_153 = arith.constant 3 : i32
    %dma_wait3A_154 = arith.constant 384 : i32
    %dma_wait3A_155 = arith.constant 0 : i32
    %dma_wait3A_156 = tpu.memref_slice %arg11[%dma_wait3A_154, %dma_wait3A_155] : memref<512x32xf32, #tpu.memory_space<vmem>> -> memref<128x32xf32, #tpu.memory_space<vmem>>
    %dma_wait3A_157 = arith.constant 0 : i32
    %dma_wait3A_158 = tpu.memref_slice %arg9[%dma_wait3A_153, %dma_wait3A_157] : memref<4x128xi32, #tpu.memory_space<vmem>> -> memref<1x128xi32, #tpu.memory_space<vmem>>
    %dma_wait3A_159 = tpu.memref_squeeze %dma_wait3A_158 : memref<1x128xi32, #tpu.memory_space<vmem>> -> memref<128xi32, #tpu.memory_space<vmem>>
    %dma_wait3A_160 = arith.constant 0 : i32
    %dma_wait3A_161 = arith.constant 0 : i32
    %dma_wait3A_162 = tpu.memref_slice %arg3[%dma_wait3A_160, %dma_wait3A_161] : memref<10000x32xf32, #tpu.memory_space<hbm>> -> memref<10000x32xf32, #tpu.memory_space<hbm>>
    tpu.wait_indirect_dma semaphore(%arg12 : memref<!tpu.dma_semaphore, #tpu.memory_space<semaphore_mem>>) src(%dma_wait3A_162 : memref<10000x32xf32, #tpu.memory_space<hbm>>) dst(%dma_wait3A_156 : memref<128x32xf32, #tpu.memory_space<vmem>>)
    %mul3A_163 = arith.constant 512 : i32
    %mul3A_164 = arith.muli %add3A, %mul3A_163 : i32
    "tpu.region"() ({
      %run_scoped3A = tpu.sem_alloc : memref<!tpu.dma_semaphore, #tpu.memory_space<semaphore_mem>>
      %dma_start3A_167 = arith.constant 0 : i32
      %dma_start3A_168 = tpu.memref_slice %arg6[%mul3A_164, %dma_start3A_167] : memref<16384x32xf32, #tpu.memory_space<hbm>> -> memref<512x32xf32, #tpu.memory_space<hbm>>
      %dma_start3A_169 = arith.constant 0 : i32
      %dma_start3A_170 = tpu.memref_slice %arg6[%mul3A_164, %dma_start3A_169] : memref<16384x32xf32, #tpu.memory_space<hbm>> -> memref<512x32xf32, #tpu.memory_space<hbm>>
      tpu.enqueue_dma source(%arg10 : memref<512x32xf32, #tpu.memory_space<vmem>>) target(%dma_start3A_170 : memref<512x32xf32, #tpu.memory_space<hbm>>) target_semaphore(%run_scoped3A : memref<!tpu.dma_semaphore, #tpu.memory_space<semaphore_mem>>)
      %dma_wait3A_171 = arith.constant 0 : i32
      %dma_wait3A_172 = tpu.memref_slice %arg6[%mul3A_164, %dma_wait3A_171] : memref<16384x32xf32, #tpu.memory_space<hbm>> -> memref<512x32xf32, #tpu.memory_space<hbm>>
      %dma_wait3A_173 = arith.constant 0 : i32
      %dma_wait3A_174 = tpu.memref_slice %arg6[%mul3A_164, %dma_wait3A_173] : memref<16384x32xf32, #tpu.memory_space<hbm>> -> memref<512x32xf32, #tpu.memory_space<hbm>>
      tpu.wait_dma2 semaphore(%run_scoped3A : memref<!tpu.dma_semaphore, #tpu.memory_space<semaphore_mem>>) src(%arg10 : memref<512x32xf32, #tpu.memory_space<vmem>>) dst(%dma_wait3A_174 : memref<512x32xf32, #tpu.memory_space<hbm>>)
      tpu.yield
    }) : () -> ()
    %mul3A_165 = arith.constant 512 : i32
    %mul3A_166 = arith.muli %add3A, %mul3A_165 : i32
    "tpu.region"() ({
      %run_scoped3A = tpu.sem_alloc : memref<!tpu.dma_semaphore, #tpu.memory_space<semaphore_mem>>
      %dma_start3A_167 = arith.constant 0 : i32
      %dma_start3A_168 = tpu.memref_slice %arg7[%mul3A_166, %dma_start3A_167] : memref<16384x32xf32, #tpu.memory_space<hbm>> -> memref<512x32xf32, #tpu.memory_space<hbm>>
      %dma_start3A_169 = arith.constant 0 : i32
      %dma_start3A_170 = tpu.memref_slice %arg7[%mul3A_166, %dma_start3A_169] : memref<16384x32xf32, #tpu.memory_space<hbm>> -> memref<512x32xf32, #tpu.memory_space<hbm>>
      tpu.enqueue_dma source(%arg11 : memref<512x32xf32, #tpu.memory_space<vmem>>) target(%dma_start3A_170 : memref<512x32xf32, #tpu.memory_space<hbm>>) target_semaphore(%run_scoped3A : memref<!tpu.dma_semaphore, #tpu.memory_space<semaphore_mem>>)
      %dma_wait3A_171 = arith.constant 0 : i32
      %dma_wait3A_172 = tpu.memref_slice %arg7[%mul3A_166, %dma_wait3A_171] : memref<16384x32xf32, #tpu.memory_space<hbm>> -> memref<512x32xf32, #tpu.memory_space<hbm>>
      %dma_wait3A_173 = arith.constant 0 : i32
      %dma_wait3A_174 = tpu.memref_slice %arg7[%mul3A_166, %dma_wait3A_173] : memref<16384x32xf32, #tpu.memory_space<hbm>> -> memref<512x32xf32, #tpu.memory_space<hbm>>
      tpu.wait_dma2 semaphore(%run_scoped3A : memref<!tpu.dma_semaphore, #tpu.memory_space<semaphore_mem>>) src(%arg11 : memref<512x32xf32, #tpu.memory_space<vmem>>) dst(%dma_wait3A_174 : memref<512x32xf32, #tpu.memory_space<hbm>>)
      tpu.yield
    }) : () -> ()
    return
  }
}

module attributes {stable_mosaic.version = 14 : i64} {
  func.func @_layer_body(%arg0: i32, %arg1: memref<400x10000xf32, #tpu.memory_space<vmem>>, %arg2: memref<10000x32xf32, #tpu.memory_space<vmem>>, %arg3: memref<400x32xf32, #tpu.memory_space<vmem>>, %arg4: memref<32x32xf32, #tpu.memory_space<vmem>>, %arg5: memref<1x32xf32, #tpu.memory_space<vmem>>, %arg6: memref<400x32xf32, #tpu.memory_space<vmem>>) attributes {dimension_semantics = [#tpu.dimension_semantics<parallel>], iteration_bounds = array<i64: 25>, scalar_prefetch = 0 : i64, scratch_operands = 0 : i64, tpu.core_type = #tpu.core_type<tc>, window_params = [{transform_indices = @transform_0, window_bounds = array<i64: 400, 10000>}, {pipeline_mode = #tpu.pipeline_mode<synchronous>, transform_indices = @transform_1, window_bounds = array<i64: 10000, 32>}, {transform_indices = @transform_2, window_bounds = array<i64: 400, 32>}, {pipeline_mode = #tpu.pipeline_mode<synchronous>, transform_indices = @transform_3, window_bounds = array<i64: 32, 32>}, {pipeline_mode = #tpu.pipeline_mode<synchronous>, transform_indices = @transform_4, window_bounds = array<i64: 1, 32>}, {transform_indices = @transform_5, window_bounds = array<i64: 400, 32>}]} {
    %get3A = arith.constant 0 : index
    %get3A_0 = arith.constant 0 : index
    %get3A_1 = vector.load %arg1[%get3A, %get3A_0] : memref<400x10000xf32, #tpu.memory_space<vmem>>, vector<400x10000xf32>
    %get3A_2 = arith.constant 0 : index
    %get3A_3 = arith.constant 0 : index
    %get3A_4 = vector.load %arg2[%get3A_2, %get3A_3] : memref<10000x32xf32, #tpu.memory_space<vmem>>, vector<10000x32xf32>
    %dot_general3A = arith.constant dense<0.000000e+00> : vector<400x32xf32>
    %dot_general3A_5 = tpu.matmul %get3A_1, %get3A_4, %dot_general3A {dimension_numbers = #tpu.dot_dimension_numbers<[1], [0], [0], [1], [0, 0, 1, 1], [], []>, transpose_lhs_hint = false} : vector<400x10000xf32>, vector<10000x32xf32>, vector<400x32xf32> -> vector<400x32xf32>
    %get3A_6 = arith.constant 0 : index
    %get3A_7 = arith.constant 0 : index
    %get3A_8 = vector.load %arg4[%get3A_6, %get3A_7] : memref<32x32xf32, #tpu.memory_space<vmem>>, vector<32x32xf32>
    %dot_general3A_9 = arith.constant dense<0.000000e+00> : vector<400x32xf32>
    %dot_general3A_10 = tpu.matmul %dot_general3A_5, %get3A_8, %dot_general3A_9 {dimension_numbers = #tpu.dot_dimension_numbers<[1], [0], [0], [1], [0, 0, 1, 1], [], []>, transpose_lhs_hint = false} : vector<400x32xf32>, vector<32x32xf32>, vector<400x32xf32> -> vector<400x32xf32>
    %get3A_11 = arith.constant 0 : index
    %get3A_12 = arith.constant 0 : index
    %get3A_13 = vector.load %arg5[%get3A_11, %get3A_12] : memref<1x32xf32, #tpu.memory_space<vmem>>, vector<1x32xf32>
    %add3A = vector.broadcast %get3A_13 : vector<1x32xf32> to vector<400x32xf32>
    %add3A_14 = arith.addf %dot_general3A_10, %add3A : vector<400x32xf32>
    %get3A_15 = arith.constant 0 : index
    %get3A_16 = arith.constant 0 : index
    %get3A_17 = vector.load %arg3[%get3A_15, %get3A_16] : memref<400x32xf32, #tpu.memory_space<vmem>>, vector<400x32xf32>
    %get3A_18 = arith.constant 0 : index
    %get3A_19 = arith.constant 0 : index
    %get3A_20 = vector.load %arg4[%get3A_18, %get3A_19] : memref<32x32xf32, #tpu.memory_space<vmem>>, vector<32x32xf32>
    %dot_general3A_21 = arith.constant dense<0.000000e+00> : vector<400x32xf32>
    %dot_general3A_22 = tpu.matmul %get3A_17, %get3A_20, %dot_general3A_21 {dimension_numbers = #tpu.dot_dimension_numbers<[1], [0], [0], [1], [0, 0, 1, 1], [], []>, transpose_lhs_hint = false} : vector<400x32xf32>, vector<32x32xf32>, vector<400x32xf32> -> vector<400x32xf32>
    %add3A_23 = arith.addf %add3A_14, %dot_general3A_22 : vector<400x32xf32>
    %get3A_24 = arith.constant 0 : index
    %get3A_25 = arith.constant 0 : index
    %get3A_26 = vector.load %arg5[%get3A_24, %get3A_25] : memref<1x32xf32, #tpu.memory_space<vmem>>, vector<1x32xf32>
    %add3A_27 = vector.broadcast %get3A_26 : vector<1x32xf32> to vector<400x32xf32>
    %add3A_28 = arith.addf %add3A_23, %add3A_27 : vector<400x32xf32>
    %ge3A = arith.constant 0.000000e+00 : f32
    %ge3A_29 = vector.broadcast %ge3A : f32 to vector<400x32xf32>
    %ge3A_30 = arith.cmpf oge, %add3A_28, %ge3A_29 : vector<400x32xf32>
    %mul3A = arith.constant 0.00999999977 : f32
    %mul3A_31 = vector.broadcast %mul3A : f32 to vector<400x32xf32>
    %mul3A_32 = arith.mulf %mul3A_31, %add3A_28 : vector<400x32xf32>
    %select_n3A = arith.select %ge3A_30, %add3A_28, %mul3A_32 : vector<400x32xi1>, vector<400x32xf32>
    %swap3A = arith.constant 0 : index
    %swap3A_33 = arith.constant 0 : index
    %swap3A_34 = vector.load %arg6[%swap3A, %swap3A_33] : memref<400x32xf32, #tpu.memory_space<vmem>>, vector<400x32xf32>
    tpu.vector_store %arg6[%swap3A, %swap3A_33], %select_n3A {strides = array<i32>} : memref<400x32xf32, #tpu.memory_space<vmem>>, vector<400x32xf32>,
    return
  }
  func.func @transform_0(%arg0: i32) -> (i32, i32) {
    %c0_i32 = arith.constant 0 : i32
    %c0_i32_0 = arith.constant 0 : i32
    return %arg0, %c0_i32 : i32, i32
  }
  func.func @transform_1(%arg0: i32) -> (i32, i32) {
    %c0_i32 = arith.constant 0 : i32
    %c0_i32_0 = arith.constant 0 : i32
    %c0_i32_1 = arith.constant 0 : i32
    return %c0_i32, %c0_i32_0 : i32, i32
  }
  func.func @transform_2(%arg0: i32) -> (i32, i32) {
    %c0_i32 = arith.constant 0 : i32
    %c0_i32_0 = arith.constant 0 : i32
    return %arg0, %c0_i32 : i32, i32
  }
  func.func @transform_3(%arg0: i32) -> (i32, i32) {
    %c0_i32 = arith.constant 0 : i32
    %c0_i32_0 = arith.constant 0 : i32
    %c0_i32_1 = arith.constant 0 : i32
    return %c0_i32, %c0_i32_0 : i32, i32
  }
  func.func @transform_4(%arg0: i32) -> (i32, i32) {
    %c0_i32 = arith.constant 0 : i32
    %c0_i32_0 = arith.constant 0 : i32
    %c0_i32_1 = arith.constant 0 : i32
    return %c0_i32, %c0_i32_0 : i32, i32
  }
  func.func @transform_5(%arg0: i32) -> (i32, i32) {
    %c0_i32 = arith.constant 0 : i32
    %c0_i32_0 = arith.constant 0 : i32
    return %arg0, %c0_i32 : i32, i32
  }
}

</mosaic_0001>

<sc_bundles>
// kernel: kernel.12.cloned.1.call-start
scs
__scs_entry_jumppad:
0x0: {  	(pc) =	sbr.rel $0x88, $3  }
0x1: {  	(tag) =	ssettag $0x0;
	lr =	simm.s32 $0x1  }
0x2: {  	[smem:$0x3F91] =	sst lr;
	_ =	strace $0xD0000000  }
0x3: {  	_ = 	snop  }
0x4: {  	_ = 	snop  }
0x5: {  	_ = 	snop  }
0x6: {  	_ = 	snop  }
0x7: {  	_ = 	snop  }
__scs_overlays_trampoline_lowered:
0x8: {  	[smem:$0x3FA0] =	sst s0  }
0x9: {  	[smem:$0x3FA1] =	sst s1  }
0xa: {  	[smem:$0x3FA2] =	sst s2  }
0xb: {  	[smem:$0x3FA3] =	sst s3  }
0xc: {  	[smem:$0x3FA4] =	sst s4  }
0xd: {  	[smem:$0x3FA5] =	sst s5  }
0xe: {  	[smem:$0x3FA6] =	sst s6  }
0xf: {  	[smem:$0x3FA7] =	sst s7  }
0x10: {  	[smem:$0x3FA8] =	sst s8  }
0x11: {  	[smem:$0x3FA9] =	sst s9;
	s0 =	simm.s32 @!p0 $0x0  }
0x12: {  	s1 =	sld [smem:$0x3F8F];
	s0 =	simm.s32 @p0 $0x1  }
0x13: {  	[smem:$0x3FAA] =	sst s0;
	s0 =	simm.s32 @!p1 $0x0  }
0x14: {  	s2 =	sld [smem:$0x3F8E];
	s0 =	simm.s32 @p1 $0x1  }
0x15: {  	[smem:$0x3FAB] =	sst s0;
	s0 =	simm.s32 @!p2 $0x0  }
0x16: {  	s3 =	sld [smem:$0x3FDB];
	s0 =	simm.s32 @p2 $0x1  }
0x17: {  	s4 =	simm.s32 $0x1BF5;
	[smem:$0x3FAD] =	sst s0  }
0x18: {  	s0 =	sld [smem:$0x3F90];
	_ =	swait.ge [sflag:s4], $0x0  }
0x19: {  	s7 =	sld [smem:$0x3F91]  }
0x1a: {  	s8 =	sadd.s32 $0xFFFFE003, lr  }
0x1b: {  	s9 =	sadd.s32 $0xFFFFFEF7, lr;
	s5 =	simm.s32 $0xFFFFFFFF;
	p2 =	slt.u32 s8, $0xFFFFF086  }
0x1c: {  	p1 =	slt.u32 s9, $0xF7A;
	s5 =	simm.s32 @!p2 $0x0  }
0x1d: {  	s5 =	simm.s32 @p1 $0x1;
	p0 =	seq.s32 s7, s2  }
0x1e: {  	s7 =	smul.u32 @!p0 $0xF7A, s2;
	p2 =	seq.s32 @!p0 s5, $0x0  }
0x1f: {  	s9 =	smul.u32 $0xF7A, s1;
	s8 =	simm.s32 @!p0 $0x1BF5;
	p2 =	por !p2, p0  }
0x20: {  	[sflag:s8] =	ssyncset.s32 @!p0 $0xFFFFF086;
	s6 =	sadd.s32 @!p0 s3, s7;
	s7 =	simm.s32 @!p0 $0x108  }
0x21: {  	s3 =	sadd.s32 s3, s9;
	s6 =	sadd.s32 @!p0 $0x88, s6;
	s7 =	simm.s32 @p2 $0x1082  }
0x22: {  	[simem:s7], [sflag:s8] =	dma.local @!p0 [hbm:s6], $0xF7A  }
0x23: {  	s9 =	sor.u32 $0xD0000000, s2;
	s6 =	simm.s32 $0x108;
	_ =	swait.ge @!p0 [sflag:s8], $0x0  }
0x24: {  	s3 =	sadd.s32 $0x88, s3;
	s6 =	simm.s32 @!p1 $0x1082;
	[sflag:s4] =	ssyncset.s32 $0xFFFFF086  }
0x25: {  	[simem:s6], [sflag:s4] =	dma.local [hbm:s3], $0xF7A  }
0x26: {  	[smem:$0x3F91] =	sst s1;
	(tag) =	ssettag s2;
	_ =	strace s9  }
0x27: {  	s1 =	sld [smem:$0x3FA1]  }
0x28: {  	s2 =	sld [smem:$0x3FA2]  }
0x29: {  	s4 =	sld [smem:$0x3FA4]  }
0x2a: {  	p0 =	seq.s32 s5, $0x0;
	s5 =	sld [smem:$0x3FA5]  }
0x2b: {  	s6 =	sld [smem:$0x3FA6]  }
0x2c: {  	s7 =	sld [smem:$0x3FA7]  }
0x2d: {  	s3 =	simm.s32 $0x108;
	s8 =	sld [smem:$0x3FA8]  }
0x2e: {  	s3 =	simm.s32 @!p0 $0x1082;
	s9 =	sld [smem:$0x3FA9]  }
0x2f: {  	lr =	sadd.s32 s0, s3;
	s0 =	sld [smem:$0x3FA0]  }
0x30: {  	s3 =	sld [smem:$0x3FA3]  }
0x31: {  	[smem:$0x3FAC] =	sst s10  }
0x32: {  	s10 =	sld [smem:$0x3FAA];
	_ =	sdelay $0x3  }
0x33: {  	p0 =	seq.s32 s10, $0x1;
	s10 =	sld [smem:$0x3FAC];
	_ =	sdelay $0x3  }
0x34: {  	[smem:$0x3FAC] =	sst s10  }
0x35: {  	s10 =	sld [smem:$0x3FAB];
	_ =	sdelay $0x3  }
0x36: {  	p1 =	seq.s32 s10, $0x1;
	s10 =	sld [smem:$0x3FAC];
	_ =	sdelay $0x3  }
0x37: {  	[smem:$0x3FAC] =	sst s10  }
0x38: {  	s10 =	sld [smem:$0x3FAD]  }
0x39: {  	_ = 	snop;
	(pc) =	sbr.ind lr, $3  }
0x3a: {  	_ = 	snop  }
0x3b: {  	_ = 	snop  }
0x3c: {  	p2 =	seq.s32 s10, $0x1;
	s10 =	sld [smem:$0x3FAC]  }
0x3d: {  	_ =	shalt  }
0x3e: {  	_ =	shalt  }
0x3f: {  	_ =	shalt  }
0x40: {  	_ =	shalt  }
0x41: {  	_ =	shalt  }
0x42: {  	_ =	shalt  }
0x43: {  	_ =	shalt  }
0x44: {  	_ =	shalt  }
0x45: {  	_ =	shalt  }
0x46: {  	_ =	shalt  }
0x47: {  	_ =	shalt  }
0x48: {  	_ =	shalt  }
0x49: {  	_ =	shalt  }
0x4a: {  	_ =	shalt  }
0x4b: {  	_ =	shalt  }
0x4c: {  	_ =	shalt  }
0x4d: {  	_ =	shalt  }
0x4e: {  	_ =	shalt  }
0x4f: {  	_ =	shalt  }
0x50: {  	_ =	shalt  }
0x51: {  	_ =	shalt  }
0x52: {  	_ =	shalt  }
0x53: {  	_ =	shalt  }
0x54: {  	_ =	shalt  }
0x55: {  	_ =	shalt  }
0x56: {  	_ =	shalt  }
0x57: {  	_ =	shalt  }
0x58: {  	_ =	shalt  }
0x59: {  	_ =	shalt  }
0x5a: {  	_ =	shalt  }
0x5b: {  	_ =	shalt  }
0x5c: {  	_ =	shalt  }
0x5d: {  	_ =	shalt  }
0x5e: {  	_ =	shalt  }
0x5f: {  	_ =	shalt  }
0x60: {  	_ =	shalt  }
0x61: {  	_ =	shalt  }
0x62: {  	_ =	shalt  }
0x63: {  	_ =	shalt  }
0x64: {  	_ =	shalt  }
0x65: {  	_ =	shalt  }
0x66: {  	_ =	shalt  }
0x67: {  	_ =	shalt  }
0x68: {  	_ =	shalt  }
0x69: {  	_ =	shalt  }
0x6a: {  	_ =	shalt  }
0x6b: {  	_ =	shalt  }
0x6c: {  	_ =	shalt  }
0x6d: {  	_ =	shalt  }
0x6e: {  	_ =	shalt  }
0x6f: {  	_ =	shalt  }
0x70: {  	_ =	shalt  }
0x71: {  	_ =	shalt  }
0x72: {  	_ =	shalt  }
0x73: {  	_ =	shalt  }
0x74: {  	_ =	shalt  }
0x75: {  	_ =	shalt  }
0x76: {  	_ =	shalt  }
0x77: {  	_ =	shalt  }
0x78: {  	_ =	shalt  }
0x79: {  	_ =	shalt  }
0x7a: {  	_ =	shalt  }
0x7b: {  	_ =	shalt  }
0x7c: {  	_ =	shalt  }
0x7d: {  	_ =	shalt  }
0x7e: {  	_ =	shalt  }
0x7f: {  	_ =	shalt  }
0x80: {  	_ =	shalt  }
0x81: {  	_ =	shalt  }
0x82: {  	_ =	shalt  }
0x83: {  	_ =	shalt  }
0x84: {  	_ =	shalt  }
0x85: {  	_ =	shalt  }
0x86: {  	_ =	shalt  }
0x87: {  	_ =	shalt  }
.Lfunc_end0:
.L_simem_size_0:
called_computation.1_lowered:
.L_overlay_start_0:
0x88: {  	s2 =	sld [smem:$0x3FD9]  }
0x89: {  	s3 =	sld [smem:$0x3FFE];
	_ =	sdelay $0x1  }
0x8a: {  	s1 =	srdreg.scid  }
0x8b: {  	s0 =	sand.u32 $0x1, s1  }
0x8c: {  	s17 =	sshll.u32 s0, $0xA;
	s2 =	sadd.s32 s3, s2  }
0x8d: {  	s2 =	sadd.s32 s2, s17  }
0x8e: {  	[smem:$0x3FB8] =	sst s2  }
0x8f: {  	_ = 	snop  }
0x90: {  	s18 =	sld [smem:$0x3FC7]  }
0x91: {  	s4 =	sld [smem:$0x3FC6];
	(tm) =	ssettm $0x1  }
0x92: {  	s19 =	sld [smem:$0x3FFB];
	_ =	sdelay $0x3  }
0x93: {  	_ =	strace s19  }
0x94: {  	s2 =	sld [smem:$0x3FFC];
	_ =	sdelay $0x3  }
0x95: {  	_ =	strace s2  }
0x96: {  	s2 =	sld [smem:$0x3FFD];
	_ =	sdelay $0x3  }
0x97: {  	_ =	strace s2  }
0x98: {  	_ =	strace $0x8FFFFFFF  }
0x99: {  	s20 =	sld [smem:$0x3FDB];
	_ =	sdelay $0x1  }
0x9a: {  	s5 =	simm.s32 $_scs_section_size  }
0x9b: {  	s6 =	simm.s32 $_size__tile_overlayer_lowered;
	s7 =	simm.s32 $_tile_overlayer_lowered  }
0x9c: {  	s8 =	simm.s32 $0x1BFF;
	s21 =	sshll.u32 s7, $0x1;
	s5 =	sadd.s32 s5, s20  }
0x9d: {  	s22 =	simm.s32 $0x0;
	s6 =	sshll.u32 s6, $0x1;
	s7 =	sadd.s32 s21, s5  }
0x9e: {  	[timem:s22], [sflag:s8] =	dma.local [hbm:s7], s6  }
0x9f: {  	_ =	swait.ge [sflag:s8], s6  }
0xa0: {  	s6 =	ssub.s32 $0x0, s6;
	[sflag:s8] =	ssyncset.done $0x0  }
0xa1: {  	[sflag:s8] =	ssyncadd.s32 s6;
	_ =	sdelay $0x1  }
0xa2: {  	s23 =	simm.s32 $0x1B8B  }
0xa3: {  	_ =	swait.ge [sflag:s23], $0x1  }
0xa4: {  	[sflag:s23] =	ssyncset.done $0x0  }
0xa5: {  	[sflag:s23] =	ssyncadd.s32 $0xFFFFFFFF  }
0xa6: {  	s6 =	sld [smem:$0x0]  }
0xa7: {  	s7 =	sand.u32 $0xFFFFFFFE, s1  }
0xa8: {  	p0 =	sne.s32 s1, s7  }
0xa9: {  	s7 =	sshll.u32 @p0 s7, $0xE  }
0xaa: {  	s7 =	sadd.s32 @p0 $0x11B8D, s7;
	s8 =	sshll.u32 @p0 s6, $0x11  }
0xab: {  	s7 =	sor.u32 @p0 s8, s7  }
0xac: {  	[sflag:s7] =	ssyncadd.remote.s32 @p0 $0x1;
	_ =	sdelay $0x1  }
0xad: {  	s7 =	simm.s32 @p0 $0x1B8D  }
0xae: {  	_ =	swait.eq @p0 [sflag:s7], $0x1  }
0xaf: {  	[sflag:s7] =	ssyncadd.s32 @p0 $0xFFFFFFFF  }
0xb0: {  	s8 =	sshll.u32 @!p0 s1, $0xE  }
0xb1: {  	s8 =	sor.u32 @!p0 $0x4000, s8;
	s7 =	simm.s32 @!p0 $0x1B8D  }
0xb2: {  	s6 =	sshll.u32 @!p0 s6, $0x11;
	s8 =	sadd.s32 @!p0 $0x11B8D, s8;
	_ =	swait.eq @!p0 [sflag:s7], $0x1  }
0xb3: {  	s6 =	sor.u32 @!p0 s6, s8;
	[sflag:s7] =	ssyncadd.s32 @!p0 $0xFFFFFFFF  }
0xb4: {  	s25 =	simm.s32 $0x1B8E;
	s24 =	sld [smem:$0x3FFE];
	[sflag:s6] =	ssyncadd.remote.s32 @!p0 $0x1  }
0xb5: {  	s26 =	simm.s32 $execute0_lowered;
	[smem:$0x3FD2] =	sst s25  }
0xb6: {  	s7 =	sshll.u32 s26, $0x1;
	_ =	strace $0x80000049;
	[dreg:$0x1] =	wrdreg $0xFFFFFFFF  }
0xb7: {  	s28 =	simm.s32 $_size_execute0_lowered;
	s5 =	sadd.s32 s5, s7;
	[dreg:$0x0] =	wrdreg $0x0  }
0xb8: {  	s7 =	sshll.u32 s28, $0x1;
	[dreg:$0x2] =	wrdreg s5  }
0xb9: {  	[dreg:$0x3] =	wrdreg s7  }
0xba: {  	[dreg:$0x4] =	wrdreg $0xC0  }
0xbb: {  	_ =	task [dreg:s22], $0x5FFFF  }
0xbc: {  	[dreg:$0x1] =	wrdreg $0xFFFFFFFF  }
0xbd: {  	[dreg:$0x0] =	wrdreg $0x60  }
0xbe: {  	[dreg:$0x2] =	wrdreg s24  }
0xbf: {  	[dreg:$0x3] =	wrdreg s18  }
0xc0: {  	[dreg:$0x4] =	wrdreg s4  }
0xc1: {  	[dreg:$0x5] =	wrdreg $0xA  }
0xc2: {  	_ =	task.clear_ibuf [dreg:s22], $0x6FFFF;
	_ =	strace $0x90000049  }
0xc3: {  	s29 =	simm.s32 $0xA;
	_ =	strace $0x8000004B  }
0xc4: {  	_ =	swait.ge [sflag:s29], $0x1  }
0xc5: {  	[sflag:s29] =	ssyncadd.s32 $0xFFFFFFFF  }
0xc6: {  	_ =	strace $0x9000004B  }
0xc7: {  	_ =	sfence  }
0xc8: {  	s30 =	sld [smem:$0x0];
	_ =	sdelay $0x2  }
0xc9: {  	s31 =	sshll.u32 s1, $0xD;
	s1 =	sshrl.u32 s1, $0x2  }
0xca: {  	s4 =	sand.u32 $0x4000, s31;
	s1 =	sadd.s32 s1, s30  }
0xcb: {  	s0 =	sor.u32 s4, s0;
	s1 =	sshll.u32 s1, $0x11  }
0xcc: {  	s0 =	sor.u32 s1, s0  }
0xcd: {  	s0 =	sadd.s32 $0x8F2B, s0  }
0xce: {  	[sflag:s0] =	ssyncadd.remote.s32 $0x1  }
0xcf: {  	_ =	sfence.sel $0xFFFF  }
0xd0: {  	[dreg:$0x0] =	wrdreg $0xFFFFFFFF;
	(pc) =	sbr.abs _section_cstart, $3  }
0xd1: {  	[dreg:$0x1] =	wrdreg $0xFFFFFFFF  }
0xd2: {  	_ =	task.clear_ibuf [dreg:s22], $0x2FFFF;
	_ =	strace $0x9FFFFFFF  }
0xd3: {  	(tm) =	ssettm $0x7FFFFFFF  }
tec
execute0_lowered:
.L_overlay_start_1:
0x0: {  	(tag) =	ssettag $0x1  }
0x1: {  	s24 =	rddreg [dreg:$0x0]  }
0x2: {  	s3 =	rddreg [dreg:$0x1]  }
0x3: {  	s1 =	srdreg.scid;
	s0 =	stileid.u32  }
0x4: {  	s5 =	rddreg [dreg:$0x2];
	s25 =	sand.u32 $0x1, s1;
	s4 =	sshll.u32 s0, $0x1  }
0x5: {  	s2 =	simm.s32 $0x0;
	s1 =	rddreg [dreg:$0x3];
	s26 =	sor.u32 s25, s4  }
0x6: {  	[smem:$0x7FF] =	sst s2;
	s6 =	sshll.u32 s26, $0x6  }
0x7: {  	_ =	strace $0x8000004A;
	s4 =	sadd.s32 s3, s6;
	s3 =	simm.s32 $0x2  }
0x8: {  	[tilespmem:s2], [sflag:$0x2] =	stream.linear.gather [hbm4b:s4+s2], $0x200, $0x38;
	[tilespmem:$0x8400] =	vst v63  }
0x9: {  	_ =	swait.ge [sflag:s3], $0x200  }
0xa: {  	[sflag:s3] =	ssyncset.done $0x0  }
0xb: {  	s5 =	sadd.s32 s5, s6;
	s6 =	simm.s32 $0x200;
	[sflag:s3] =	ssyncadd.s32 $0xFFFFFE00  }
0xc: {  	[tilespmem:s6], [sflag:$0x2] =	stream.linear.gather [hbm4b:s5+s2], $0x200, $0x38;
	[tilespmem:$0x8400] =	vst v63  }
0xd: {  	_ =	swait.ge [sflag:s3], $0x200  }
0xe: {  	s8 =	simm.s32 $0x80;
	[sflag:s3] =	ssyncset.done $0x0  }
0xf: {  	s9 =	simm.s32 $0x400;
	s7 =	sadd.s32 $0x85200, s24;
	[sflag:s3] =	ssyncadd.s32 $0xFFFFFE00  }
0x10: {  	[tilespmem:s9], [sflag:$0x1] =	stream.indirect.gather [hbm4b:s7+s8], $0x20, s2, s8, $0xb8;
	[tilespmem:$0x8400] =	vst v63  }
0x11: {  	s11 =	simm.s32 $0x4400;
	s10 =	sadd.s32 $0x8F000, s24  }
0x12: {  	[tilespmem:s11], [sflag:$0x1] =	stream.indirect.gather [hbm4b:s10+s8], $0x20, s6, s8, $0xb8;
	[tilespmem:$0x8400] =	vst v63  }
0x13: {  	s12 =	simm.s32 $0x1400  }
0x14: {  	[tilespmem:s12], [sflag:$0x1] =	stream.indirect.gather [hbm4b:s7+s8], $0x20, s8, s8, $0xb8;
	[tilespmem:$0x8400] =	vst v63  }
0x15: {  	s13 =	simm.s32 $0x280;
	s14 =	simm.s32 $0x5400  }
0x16: {  	[tilespmem:s14], [sflag:$0x1] =	stream.indirect.gather [hbm4b:s10+s8], $0x20, s13, s8, $0xb8;
	[tilespmem:$0x8400] =	vst v63  }
0x17: {  	s15 =	simm.s32 $0x100;
	s16 =	simm.s32 $0x2400  }
0x18: {  	[tilespmem:s16], [sflag:$0x1] =	stream.indirect.gather [hbm4b:s7+s8], $0x20, s15, s8, $0xb8;
	[tilespmem:$0x8400] =	vst v63  }
0x19: {  	s17 =	simm.s32 $0x300;
	s18 =	simm.s32 $0x6400  }
0x1a: {  	[tilespmem:s18], [sflag:$0x1] =	stream.indirect.gather [hbm4b:s10+s8], $0x20, s17, s8, $0xb8;
	[tilespmem:$0x8400] =	vst v63  }
0x1b: {  	s19 =	simm.s32 $0x180;
	s20 =	simm.s32 $0x3400  }
0x1c: {  	[tilespmem:s20], [sflag:$0x1] =	stream.indirect.gather [hbm4b:s7+s8], $0x20, s19, s8, $0xb8;
	[tilespmem:$0x8400] =	vst v63  }
0x1d: {  	s21 =	simm.s32 $0x380;
	s22 =	simm.s32 $0x7400;
	s23 =	simm.s32 $0x1  }
0x1e: {  	[tilespmem:s22], [sflag:$0x1] =	stream.indirect.gather [hbm4b:s10+s8], $0x20, s21, s8, $0xb8;
	[tilespmem:$0x8400] =	vst v63  }
0x1f: {  	_ =	swait.ge [sflag:s23], $0x1000  }
0x20: {  	[sflag:s23] =	ssyncset.done $0x0  }
0x21: {  	[sflag:s23] =	ssyncadd.s32 $0xFFFFF000  }
0x22: {  	_ =	swait.ge [sflag:s23], $0x1000  }
0x23: {  	[sflag:s23] =	ssyncset.done $0x0  }
0x24: {  	[sflag:s23] =	ssyncadd.s32 $0xFFFFF000  }
0x25: {  	_ =	swait.ge [sflag:s23], $0x1000  }
0x26: {  	[sflag:s23] =	ssyncset.done $0x0  }
0x27: {  	[sflag:s23] =	ssyncadd.s32 $0xFFFFF000  }
0x28: {  	_ =	swait.ge [sflag:s23], $0x1000  }
0x29: {  	[sflag:s23] =	ssyncset.done $0x0  }
0x2a: {  	[sflag:s23] =	ssyncadd.s32 $0xFFFFF000  }
0x2b: {  	_ =	swait.ge [sflag:s23], $0x1000  }
0x2c: {  	[sflag:s23] =	ssyncset.done $0x0  }
0x2d: {  	[sflag:s23] =	ssyncadd.s32 $0xFFFFF000  }
0x2e: {  	_ =	swait.ge [sflag:s23], $0x1000  }
0x2f: {  	[sflag:s23] =	ssyncset.done $0x0  }
0x30: {  	[sflag:s23] =	ssyncadd.s32 $0xFFFFF000  }
0x31: {  	_ =	swait.ge [sflag:s23], $0x1000  }
0x32: {  	[sflag:s23] =	ssyncset.done $0x0  }
0x33: {  	s25 =	ssub.s32 $0x2, s25;
	[sflag:s23] =	ssyncadd.s32 $0xFFFFF000  }
0x34: {  	s26 =	sshll.u32 s26, $0xB;
	s28 =	sshrl.u32 s25, $0x1;
	_ =	swait.ge [sflag:s23], $0x1000  }
0x35: {  	s26 =	sadd.s32 s26, s24;
	s28 =	ssub.s32 s25, s28;
	[sflag:s23] =	ssyncset.done $0x0  }
0x36: {  	s24 =	sadd.s32 $0xA8E00, s26;
	s31 =	smax.u32 s28, $0x1;
	[sflag:s23] =	ssyncadd.s32 $0xFFFFF000  }
0x37: {  	[hbm4b:s24+s2] =	stream.linear.scatter [tilespmem:s9], [sflag:$0x2], $0x4000, $0x38;
	[tilespmem:$0x8400] =	vst v63  }
0x38: {  	p0 =	sne.s32 s31, $0x1;
	_ =	swait.ge [sflag:s3], $0x4000  }
.Ltmp0:
0x39: {  	[sflag:s3] =	ssyncset.done $0x0;
	(pc) =	sbr.rel @!p0 .LBB2_2-.Ltmp0, $4  }
0x3a: {  	s25 =	sadd.s32 $0x98E00, s26;
	[sflag:s3] =	ssyncadd.s32 $0xFFFFC000  }
0x3b: {  	[hbm4b:s25+s2] =	stream.linear.scatter [tilespmem:s11], [sflag:$0x2], $0x4000, $0x38;
	[tilespmem:$0x8400] =	vst v63  }
0x3c: {  	_ =	swait.ge [sflag:s3], $0x4000  }
0x3d: {  	s26 =	sadd.s32 $0xFFFFFFFF, s31;
	[sflag:s3] =	ssyncset.done $0x0  }
.LBB2_1:
0x3e: {  	p0 =	sne.s32 s26, $0x1;
	s26 =	sadd.s32 $0xFFFFFFFF, s26;
	[sflag:s3] =	ssyncadd.s32 $0xFFFFC000  }
0x3f: {  	[tilespmem:s2], [sflag:$0x2] =	stream.linear.gather [hbm4b:s4+s2], $0x200, $0x38;
	[tilespmem:$0x8400] =	vst v63  }
0x40: {  	_ =	swait.ge [sflag:s3], $0x200  }
0x41: {  	[sflag:s3] =	ssyncset.done $0x0  }
0x42: {  	[sflag:s3] =	ssyncadd.s32 $0xFFFFFE00  }
0x43: {  	[tilespmem:s6], [sflag:$0x2] =	stream.linear.gather [hbm4b:s5+s2], $0x200, $0x38;
	[tilespmem:$0x8400] =	vst v63  }
0x44: {  	_ =	swait.ge [sflag:s3], $0x200  }
0x45: {  	[sflag:s3] =	ssyncset.done $0x0  }
0x46: {  	[sflag:s3] =	ssyncadd.s32 $0xFFFFFE00  }
0x47: {  	[tilespmem:s9], [sflag:$0x1] =	stream.indirect.gather [hbm4b:s7+s8], $0x20, s2, s8, $0xb8;
	[tilespmem:$0x8400] =	vst v63  }
0x48: {  	_ = 	snop  }
0x49: {  	[tilespmem:s11], [sflag:$0x1] =	stream.indirect.gather [hbm4b:s10+s8], $0x20, s6, s8, $0xb8;
	[tilespmem:$0x8400] =	vst v63  }
0x4a: {  	_ = 	snop  }
0x4b: {  	[tilespmem:s12], [sflag:$0x1] =	stream.indirect.gather [hbm4b:s7+s8], $0x20, s8, s8, $0xb8;
	[tilespmem:$0x8400] =	vst v63  }
0x4c: {  	_ = 	snop  }
0x4d: {  	[tilespmem:s14], [sflag:$0x1] =	stream.indirect.gather [hbm4b:s10+s8], $0x20, s13, s8, $0xb8;
	[tilespmem:$0x8400] =	vst v63  }
0x4e: {  	_ = 	snop  }
0x4f: {  	[tilespmem:s16], [sflag:$0x1] =	stream.indirect.gather [hbm4b:s7+s8], $0x20, s15, s8, $0xb8;
	[tilespmem:$0x8400] =	vst v63  }
0x50: {  	_ = 	snop  }
0x51: {  	[tilespmem:s18], [sflag:$0x1] =	stream.indirect.gather [hbm4b:s10+s8], $0x20, s17, s8, $0xb8;
	[tilespmem:$0x8400] =	vst v63  }
0x52: {  	_ = 	snop  }
0x53: {  	[tilespmem:s20], [sflag:$0x1] =	stream.indirect.gather [hbm4b:s7+s8], $0x20, s19, s8, $0xb8;
	[tilespmem:$0x8400] =	vst v63  }
0x54: {  	_ = 	snop  }
0x55: {  	[tilespmem:s22], [sflag:$0x1] =	stream.indirect.gather [hbm4b:s10+s8], $0x20, s21, s8, $0xb8;
	[tilespmem:$0x8400] =	vst v63  }
0x56: {  	_ =	swait.ge [sflag:s23], $0x1000  }
0x57: {  	[sflag:s23] =	ssyncset.done $0x0  }
0x58: {  	[sflag:s23] =	ssyncadd.s32 $0xFFFFF000  }
0x59: {  	_ =	swait.ge [sflag:s23], $0x1000  }
0x5a: {  	[sflag:s23] =	ssyncset.done $0x0  }
0x5b: {  	[sflag:s23] =	ssyncadd.s32 $0xFFFFF000  }
0x5c: {  	_ =	swait.ge [sflag:s23], $0x1000  }
0x5d: {  	[sflag:s23] =	ssyncset.done $0x0  }
0x5e: {  	[sflag:s23] =	ssyncadd.s32 $0xFFFFF000  }
0x5f: {  	_ =	swait.ge [sflag:s23], $0x1000  }
0x60: {  	[sflag:s23] =	ssyncset.done $0x0  }
0x61: {  	[sflag:s23] =	ssyncadd.s32 $0xFFFFF000  }
0x62: {  	_ =	swait.ge [sflag:s23], $0x1000  }
0x63: {  	[sflag:s23] =	ssyncset.done $0x0  }
0x64: {  	[sflag:s23] =	ssyncadd.s32 $0xFFFFF000  }
0x65: {  	_ =	swait.ge [sflag:s23], $0x1000  }
0x66: {  	[sflag:s23] =	ssyncset.done $0x0  }
0x67: {  	[sflag:s23] =	ssyncadd.s32 $0xFFFFF000  }
0x68: {  	_ =	swait.ge [sflag:s23], $0x1000  }
0x69: {  	[sflag:s23] =	ssyncset.done $0x0  }
0x6a: {  	[sflag:s23] =	ssyncadd.s32 $0xFFFFF000  }
0x6b: {  	_ =	swait.ge [sflag:s23], $0x1000  }
0x6c: {  	[sflag:s23] =	ssyncset.done $0x0  }
0x6d: {  	[sflag:s23] =	ssyncadd.s32 $0xFFFFF000  }
0x6e: {  	[hbm4b:s24+s2] =	stream.linear.scatter [tilespmem:s9], [sflag:$0x2], $0x4000, $0x38;
	[tilespmem:$0x8400] =	vst v63  }
0x6f: {  	_ =	swait.ge [sflag:s3], $0x4000  }
.Ltmp1:
0x70: {  	[sflag:s3] =	ssyncset.done $0x0;
	(pc) =	sbr.rel @p0 .LBB2_1-.Ltmp1, $4  }
0x71: {  	[sflag:s3] =	ssyncadd.s32 $0xFFFFC000  }
0x72: {  	[hbm4b:s25+s2] =	stream.linear.scatter [tilespmem:s11], [sflag:$0x2], $0x4000, $0x38;
	[tilespmem:$0x8400] =	vst v63  }
0x73: {  	_ =	swait.ge [sflag:s3], $0x4000  }
0x74: {  	[sflag:s3] =	ssyncset.done $0x0  }
.LBB2_2:
0x75: {  	[sflag:s3] =	ssyncadd.s32 $0xFFFFC000  }
0x76: {  	_ =	sfence.sel $0x180000  }
0x77: {  	[bflag:$0x0] =	sbarrier.arrive $0xFFFF  }
0x78: {  	p0 =	sne.s32 s0, $0x0;
	_ =	strace $0x9000004A  }
0x79: {  	s0 =	sadd.s32 @!p0 $0x100000, s1;
	[bflag:$0x2] =	sbarrier.arrive $0xFFFF  }
0x7a: {  	[sflag:s0] =	ssyncadd.tile.s32 @!p0 $0x1;
	_ =	shalt  }
.Lfunc_end2:
_tile_overlayer_lowered:
.L_overlay_start_2:
0x7b: {  	(tag) =	ssettag $0x2  }
0x7c: {  	s0 =	rddreg [dreg:$0x0];
	s2 =	stileid.u32  }
0x7d: {  	s1 =	rddreg [dreg:$0x1];
	p0 =	sne.s32 s2, $0x0  }
0x7e: {  	s3 =	rddreg [dreg:$0x2];
	[bflag:$0x3] =	sbarrier.arrive $0xFFFF;
	s2 =	simm.s32 @!p0 $0x1C02  }
0x7f: {  	[timem:s3], [sflag:s2] =	dma.local @!p0 [hbm:s0], s1  }
0x80: {  	s0 =	simm.s32 @!p0 $0x2  }
0x81: {  	_ =	swait.ge @!p0 [sflag:s0], s1  }
0x82: {  	s1 =	ssub.s32 @!p0 $0x0, s1;
	[sflag:s0] =	ssyncset.done @!p0 $0x0  }
0x83: {  	[sflag:s0] =	ssyncadd.s32 @!p0 s1  }
0x84: {  	[bflag:$0x3] =	sbarrier.arrive $0xFFFF  }
0x85: {  	_ =	shalt  }

// kernel: kernel.15.cloned.1.call-start
scs
__scs_entry_jumppad:
0x0: {  	(pc) =	sbr.rel $0x88, $3  }
0x1: {  	(tag) =	ssettag $0x0;
	lr =	simm.s32 $0x1  }
0x2: {  	[smem:$0x3F91] =	sst lr;
	_ =	strace $0xD0000000  }
0x3: {  	_ = 	snop  }
0x4: {  	_ = 	snop  }
0x5: {  	_ = 	snop  }
0x6: {  	_ = 	snop  }
0x7: {  	_ = 	snop  }
__scs_overlays_trampoline_lowered:
0x8: {  	[smem:$0x3FA0] =	sst s0  }
0x9: {  	[smem:$0x3FA1] =	sst s1  }
0xa: {  	[smem:$0x3FA2] =	sst s2  }
0xb: {  	[smem:$0x3FA3] =	sst s3  }
0xc: {  	[smem:$0x3FA4] =	sst s4  }
0xd: {  	[smem:$0x3FA5] =	sst s5  }
0xe: {  	[smem:$0x3FA6] =	sst s6  }
0xf: {  	[smem:$0x3FA7] =	sst s7  }
0x10: {  	[smem:$0x3FA8] =	sst s8  }
0x11: {  	[smem:$0x3FA9] =	sst s9;
	s0 =	simm.s32 @!p0 $0x0  }
0x12: {  	s1 =	sld [smem:$0x3F8F];
	s0 =	simm.s32 @p0 $0x1  }
0x13: {  	[smem:$0x3FAA] =	sst s0;
	s0 =	simm.s32 @!p1 $0x0  }
0x14: {  	s2 =	sld [smem:$0x3F8E];
	s0 =	simm.s32 @p1 $0x1  }
0x15: {  	[smem:$0x3FAB] =	sst s0;
	s0 =	simm.s32 @!p2 $0x0  }
0x16: {  	s3 =	sld [smem:$0x3FDB];
	s0 =	simm.s32 @p2 $0x1  }
0x17: {  	s4 =	simm.s32 $0x1BF5;
	[smem:$0x3FAD] =	sst s0  }
0x18: {  	s0 =	sld [smem:$0x3F90];
	_ =	swait.ge [sflag:s4], $0x0  }
0x19: {  	s7 =	sld [smem:$0x3F91]  }
0x1a: {  	s8 =	sadd.s32 $0xFFFFE003, lr  }
0x1b: {  	s9 =	sadd.s32 $0xFFFFFEF7, lr;
	s5 =	simm.s32 $0xFFFFFFFF;
	p2 =	slt.u32 s8, $0xFFFFF086  }
0x1c: {  	p1 =	slt.u32 s9, $0xF7A;
	s5 =	simm.s32 @!p2 $0x0  }
0x1d: {  	s5 =	simm.s32 @p1 $0x1;
	p0 =	seq.s32 s7, s2  }
0x1e: {  	s7 =	smul.u32 @!p0 $0xF7A, s2;
	p2 =	seq.s32 @!p0 s5, $0x0  }
0x1f: {  	s9 =	smul.u32 $0xF7A, s1;
	s8 =	simm.s32 @!p0 $0x1BF5;
	p2 =	por !p2, p0  }
0x20: {  	[sflag:s8] =	ssyncset.s32 @!p0 $0xFFFFF086;
	s6 =	sadd.s32 @!p0 s3, s7;
	s7 =	simm.s32 @!p0 $0x108  }
0x21: {  	s3 =	sadd.s32 s3, s9;
	s6 =	sadd.s32 @!p0 $0x88, s6;
	s7 =	simm.s32 @p2 $0x1082  }
0x22: {  	[simem:s7], [sflag:s8] =	dma.local @!p0 [hbm:s6], $0xF7A  }
0x23: {  	s9 =	sor.u32 $0xD0000000, s2;
	s6 =	simm.s32 $0x108;
	_ =	swait.ge @!p0 [sflag:s8], $0x0  }
0x24: {  	s3 =	sadd.s32 $0x88, s3;
	s6 =	simm.s32 @!p1 $0x1082;
	[sflag:s4] =	ssyncset.s32 $0xFFFFF086  }
0x25: {  	[simem:s6], [sflag:s4] =	dma.local [hbm:s3], $0xF7A  }
0x26: {  	[smem:$0x3F91] =	sst s1;
	(tag) =	ssettag s2;
	_ =	strace s9  }
0x27: {  	s1 =	sld [smem:$0x3FA1]  }
0x28: {  	s2 =	sld [smem:$0x3FA2]  }
0x29: {  	s4 =	sld [smem:$0x3FA4]  }
0x2a: {  	p0 =	seq.s32 s5, $0x0;
	s5 =	sld [smem:$0x3FA5]  }
0x2b: {  	s6 =	sld [smem:$0x3FA6]  }
0x2c: {  	s7 =	sld [smem:$0x3FA7]  }
0x2d: {  	s3 =	simm.s32 $0x108;
	s8 =	sld [smem:$0x3FA8]  }
0x2e: {  	s3 =	simm.s32 @!p0 $0x1082;
	s9 =	sld [smem:$0x3FA9]  }
0x2f: {  	lr =	sadd.s32 s0, s3;
	s0 =	sld [smem:$0x3FA0]  }
0x30: {  	s3 =	sld [smem:$0x3FA3]  }
0x31: {  	[smem:$0x3FAC] =	sst s10  }
0x32: {  	s10 =	sld [smem:$0x3FAA];
	_ =	sdelay $0x3  }
0x33: {  	p0 =	seq.s32 s10, $0x1;
	s10 =	sld [smem:$0x3FAC];
	_ =	sdelay $0x3  }
0x34: {  	[smem:$0x3FAC] =	sst s10  }
0x35: {  	s10 =	sld [smem:$0x3FAB];
	_ =	sdelay $0x3  }
0x36: {  	p1 =	seq.s32 s10, $0x1;
	s10 =	sld [smem:$0x3FAC];
	_ =	sdelay $0x3  }
0x37: {  	[smem:$0x3FAC] =	sst s10  }
0x38: {  	s10 =	sld [smem:$0x3FAD]  }
0x39: {  	_ = 	snop;
	(pc) =	sbr.ind lr, $3  }
0x3a: {  	_ = 	snop  }
0x3b: {  	_ = 	snop  }
0x3c: {  	p2 =	seq.s32 s10, $0x1;
	s10 =	sld [smem:$0x3FAC]  }
0x3d: {  	_ =	shalt  }
0x3e: {  	_ =	shalt  }
0x3f: {  	_ =	shalt  }
0x40: {  	_ =	shalt  }
0x41: {  	_ =	shalt  }
0x42: {  	_ =	shalt  }
0x43: {  	_ =	shalt  }
0x44: {  	_ =	shalt  }
0x45: {  	_ =	shalt  }
0x46: {  	_ =	shalt  }
0x47: {  	_ =	shalt  }
0x48: {  	_ =	shalt  }
0x49: {  	_ =	shalt  }
0x4a: {  	_ =	shalt  }
0x4b: {  	_ =	shalt  }
0x4c: {  	_ =	shalt  }
0x4d: {  	_ =	shalt  }
0x4e: {  	_ =	shalt  }
0x4f: {  	_ =	shalt  }
0x50: {  	_ =	shalt  }
0x51: {  	_ =	shalt  }
0x52: {  	_ =	shalt  }
0x53: {  	_ =	shalt  }
0x54: {  	_ =	shalt  }
0x55: {  	_ =	shalt  }
0x56: {  	_ =	shalt  }
0x57: {  	_ =	shalt  }
0x58: {  	_ =	shalt  }
0x59: {  	_ =	shalt  }
0x5a: {  	_ =	shalt  }
0x5b: {  	_ =	shalt  }
0x5c: {  	_ =	shalt  }
0x5d: {  	_ =	shalt  }
0x5e: {  	_ =	shalt  }
0x5f: {  	_ =	shalt  }
0x60: {  	_ =	shalt  }
0x61: {  	_ =	shalt  }
0x62: {  	_ =	shalt  }
0x63: {  	_ =	shalt  }
0x64: {  	_ =	shalt  }
0x65: {  	_ =	shalt  }
0x66: {  	_ =	shalt  }
0x67: {  	_ =	shalt  }
0x68: {  	_ =	shalt  }
0x69: {  	_ =	shalt  }
0x6a: {  	_ =	shalt  }
0x6b: {  	_ =	shalt  }
0x6c: {  	_ =	shalt  }
0x6d: {  	_ =	shalt  }
0x6e: {  	_ =	shalt  }
0x6f: {  	_ =	shalt  }
0x70: {  	_ =	shalt  }
0x71: {  	_ =	shalt  }
0x72: {  	_ =	shalt  }
0x73: {  	_ =	shalt  }
0x74: {  	_ =	shalt  }
0x75: {  	_ =	shalt  }
0x76: {  	_ =	shalt  }
0x77: {  	_ =	shalt  }
0x78: {  	_ =	shalt  }
0x79: {  	_ =	shalt  }
0x7a: {  	_ =	shalt  }
0x7b: {  	_ =	shalt  }
0x7c: {  	_ =	shalt  }
0x7d: {  	_ =	shalt  }
0x7e: {  	_ =	shalt  }
0x7f: {  	_ =	shalt  }
0x80: {  	_ =	shalt  }
0x81: {  	_ =	shalt  }
0x82: {  	_ =	shalt  }
0x83: {  	_ =	shalt  }
0x84: {  	_ =	shalt  }
0x85: {  	_ =	shalt  }
0x86: {  	_ =	shalt  }
0x87: {  	_ =	shalt  }
.Lfunc_end0:
.L_simem_size_0:
called_computation.2_lowered:
.L_overlay_start_0:
0x88: {  	s2 =	sld [smem:$0x3FD9]  }
0x89: {  	s3 =	sld [smem:$0x3FFE];
	_ =	sdelay $0x1  }
0x8a: {  	s1 =	srdreg.scid  }
0x8b: {  	s0 =	sand.u32 $0x1, s1  }
0x8c: {  	s17 =	sshll.u32 s0, $0xA;
	s2 =	sadd.s32 s3, s2  }
0x8d: {  	s2 =	sadd.s32 s2, s17  }
0x8e: {  	[smem:$0x3FB8] =	sst s2  }
0x8f: {  	_ = 	snop  }
0x90: {  	s2 =	sld [smem:$0x3FC7]  }
0x91: {  	s18 =	sld [smem:$0x3FC6];
	(tm) =	ssettm $0x1  }
0x92: {  	s4 =	sld [smem:$0x3FFB];
	_ =	sdelay $0x3  }
0x93: {  	_ =	strace s4  }
0x94: {  	s4 =	sld [smem:$0x3FFC];
	_ =	sdelay $0x3  }
0x95: {  	_ =	strace s4  }
0x96: {  	s4 =	sld [smem:$0x3FFD];
	_ =	sdelay $0x3  }
0x97: {  	_ =	strace s4  }
0x98: {  	_ =	strace $0x8FFFFFFF  }
0x99: {  	s19 =	sld [smem:$0x3FDB];
	_ =	sdelay $0x1  }
0x9a: {  	s5 =	simm.s32 $_scs_section_size  }
0x9b: {  	s6 =	simm.s32 $_size__tile_overlayer_lowered;
	s7 =	simm.s32 $_tile_overlayer_lowered  }
0x9c: {  	s22 =	simm.s32 $0x1BFF;
	s21 =	sshll.u32 s7, $0x1;
	s4 =	sadd.s32 s5, s19  }
0x9d: {  	s8 =	simm.s32 $0x0;
	s20 =	sshll.u32 s6, $0x1;
	s6 =	sadd.s32 s21, s4  }
0x9e: {  	[timem:s8], [sflag:s22] =	dma.local [hbm:s6], s20  }
0x9f: {  	_ =	swait.ge [sflag:s22], s20  }
0xa0: {  	s5 =	ssub.s32 $0x0, s20;
	[sflag:s22] =	ssyncset.done $0x0  }
0xa1: {  	[sflag:s22] =	ssyncadd.s32 s5;
	_ =	sdelay $0x1  }
0xa2: {  	s23 =	simm.s32 $0x1B8B  }
0xa3: {  	_ =	swait.ge [sflag:s23], $0x1  }
0xa4: {  	[sflag:s23] =	ssyncset.done $0x0  }
0xa5: {  	s25 =	simm.s32 $0x1B8E;
	s24 =	sld [smem:$0x3FFE];
	[sflag:s23] =	ssyncadd.s32 $0xFFFFFFFF  }
0xa6: {  	s26 =	simm.s32 $execute0_lowered;
	[smem:$0x3FD2] =	sst s25  }
0xa7: {  	s6 =	sshll.u32 s26, $0x1;
	_ =	strace $0x80000046;
	[dreg:$0x1] =	wrdreg $0xFFFFFFFF  }
0xa8: {  	s28 =	simm.s32 $_size_execute0_lowered;
	s4 =	sadd.s32 s4, s6;
	[dreg:$0x0] =	wrdreg $0x0  }
0xa9: {  	s6 =	sshll.u32 s28, $0x1;
	[dreg:$0x2] =	wrdreg s4  }
0xaa: {  	[dreg:$0x3] =	wrdreg s6  }
0xab: {  	[dreg:$0x4] =	wrdreg $0xC0  }
0xac: {  	_ =	task [dreg:s8], $0x5FFFF  }
0xad: {  	[dreg:$0x1] =	wrdreg $0xFFFFFFFF  }
0xae: {  	[dreg:$0x0] =	wrdreg $0x60  }
0xaf: {  	[dreg:$0x2] =	wrdreg s24  }
0xb0: {  	[dreg:$0x3] =	wrdreg s2  }
0xb1: {  	[dreg:$0x4] =	wrdreg s18  }
0xb2: {  	[dreg:$0x5] =	wrdreg $0xB  }
0xb3: {  	_ =	task.clear_ibuf [dreg:s8], $0x6FFFF;
	_ =	strace $0x90000046  }
0xb4: {  	s29 =	simm.s32 $0xB;
	_ =	strace $0x80000048  }
0xb5: {  	_ =	swait.ge [sflag:s29], $0x1  }
0xb6: {  	[sflag:s29] =	ssyncadd.s32 $0xFFFFFFFF  }
0xb7: {  	_ =	strace $0x90000048  }
0xb8: {  	_ =	sfence  }
0xb9: {  	s30 =	sld [smem:$0x0];
	_ =	sdelay $0x2  }
0xba: {  	s31 =	sshll.u32 s1, $0xD;
	s1 =	sshrl.u32 s1, $0x2  }
0xbb: {  	s3 =	sand.u32 $0x4000, s31;
	s1 =	sadd.s32 s1, s30  }
0xbc: {  	s0 =	sor.u32 s3, s0;
	s1 =	sshll.u32 s1, $0x11  }
0xbd: {  	s0 =	sor.u32 s1, s0  }
0xbe: {  	s0 =	sadd.s32 $0x8F2B, s0  }
0xbf: {  	[sflag:s0] =	ssyncadd.remote.s32 $0x1  }
0xc0: {  	_ =	sfence.sel $0xFFFF  }
0xc1: {  	[dreg:$0x0] =	wrdreg $0xFFFFFFFF;
	(pc) =	sbr.abs _section_cstart, $3  }
0xc2: {  	[dreg:$0x1] =	wrdreg $0xFFFFFFFF  }
0xc3: {  	_ =	task.clear_ibuf [dreg:s8], $0x2FFFF;
	_ =	strace $0x9FFFFFFF  }
0xc4: {  	(tm) =	ssettm $0x7FFFFFFF  }
0xc5: {  	_ =	shalt  }
tec
execute0_lowered:
.L_overlay_start_1:
0x0: {  	(tag) =	ssettag $0x1  }
0x1: {  	s24 =	rddreg [dreg:$0x0]  }
0x2: {  	s3 =	rddreg [dreg:$0x1]  }
0x3: {  	s1 =	srdreg.scid;
	s0 =	stileid.u32  }
0x4: {  	s5 =	rddreg [dreg:$0x2];
	s25 =	sand.u32 $0x1, s1;
	s4 =	sshll.u32 s0, $0x1  }
0x5: {  	s2 =	simm.s32 $0x0;
	s1 =	rddreg [dreg:$0x3];
	s26 =	sor.u32 s25, s4  }
0x6: {  	[smem:$0x7FF] =	sst s2;
	s6 =	sshll.u32 s26, $0x6  }
0x7: {  	_ =	strace $0x80000047;
	s4 =	sadd.s32 s3, s6;
	s3 =	simm.s32 $0x2  }
0x8: {  	[tilespmem:s2], [sflag:$0x2] =	stream.linear.gather [hbm4b:s4+s2], $0x200, $0x38;
	[tilespmem:$0x8400] =	vst v63  }
0x9: {  	_ =	swait.ge [sflag:s3], $0x200  }
0xa: {  	[sflag:s3] =	ssyncset.done $0x0  }
0xb: {  	s5 =	sadd.s32 s5, s6;
	s6 =	simm.s32 $0x200;
	[sflag:s3] =	ssyncadd.s32 $0xFFFFFE00  }
0xc: {  	[tilespmem:s6], [sflag:$0x2] =	stream.linear.gather [hbm4b:s5+s2], $0x200, $0x38;
	[tilespmem:$0x8400] =	vst v63  }
0xd: {  	_ =	swait.ge [sflag:s3], $0x200  }
0xe: {  	s8 =	simm.s32 $0x80;
	[sflag:s3] =	ssyncset.done $0x0  }
0xf: {  	s9 =	simm.s32 $0x400;
	s7 =	sadd.s32 $0x51600, s24;
	[sflag:s3] =	ssyncadd.s32 $0xFFFFFE00  }
0x10: {  	[tilespmem:s9], [sflag:$0x1] =	stream.indirect.gather [hbm4b:s7+s8], $0x20, s2, s8, $0xb8;
	[tilespmem:$0x8400] =	vst v63  }
0x11: {  	s11 =	simm.s32 $0x4400;
	s10 =	sadd.s32 $0x5B400, s24  }
0x12: {  	[tilespmem:s11], [sflag:$0x1] =	stream.indirect.gather [hbm4b:s10+s8], $0x20, s6, s8, $0xb8;
	[tilespmem:$0x8400] =	vst v63  }
0x13: {  	s12 =	simm.s32 $0x1400  }
0x14: {  	[tilespmem:s12], [sflag:$0x1] =	stream.indirect.gather [hbm4b:s7+s8], $0x20, s8, s8, $0xb8;
	[tilespmem:$0x8400] =	vst v63  }
0x15: {  	s13 =	simm.s32 $0x280;
	s14 =	simm.s32 $0x5400  }
0x16: {  	[tilespmem:s14], [sflag:$0x1] =	stream.indirect.gather [hbm4b:s10+s8], $0x20, s13, s8, $0xb8;
	[tilespmem:$0x8400] =	vst v63  }
0x17: {  	s15 =	simm.s32 $0x100;
	s16 =	simm.s32 $0x2400  }
0x18: {  	[tilespmem:s16], [sflag:$0x1] =	stream.indirect.gather [hbm4b:s7+s8], $0x20, s15, s8, $0xb8;
	[tilespmem:$0x8400] =	vst v63  }
0x19: {  	s17 =	simm.s32 $0x300;
	s18 =	simm.s32 $0x6400  }
0x1a: {  	[tilespmem:s18], [sflag:$0x1] =	stream.indirect.gather [hbm4b:s10+s8], $0x20, s17, s8, $0xb8;
	[tilespmem:$0x8400] =	vst v63  }
0x1b: {  	s19 =	simm.s32 $0x180;
	s20 =	simm.s32 $0x3400  }
0x1c: {  	[tilespmem:s20], [sflag:$0x1] =	stream.indirect.gather [hbm4b:s7+s8], $0x20, s19, s8, $0xb8;
	[tilespmem:$0x8400] =	vst v63  }
0x1d: {  	s21 =	simm.s32 $0x380;
	s22 =	simm.s32 $0x7400;
	s23 =	simm.s32 $0x1  }
0x1e: {  	[tilespmem:s22], [sflag:$0x1] =	stream.indirect.gather [hbm4b:s10+s8], $0x20, s21, s8, $0xb8;
	[tilespmem:$0x8400] =	vst v63  }
0x1f: {  	_ =	swait.ge [sflag:s23], $0x1000  }
0x20: {  	[sflag:s23] =	ssyncset.done $0x0  }
0x21: {  	[sflag:s23] =	ssyncadd.s32 $0xFFFFF000  }
0x22: {  	_ =	swait.ge [sflag:s23], $0x1000  }
0x23: {  	[sflag:s23] =	ssyncset.done $0x0  }
0x24: {  	[sflag:s23] =	ssyncadd.s32 $0xFFFFF000  }
0x25: {  	_ =	swait.ge [sflag:s23], $0x1000  }
0x26: {  	[sflag:s23] =	ssyncset.done $0x0  }
0x27: {  	[sflag:s23] =	ssyncadd.s32 $0xFFFFF000  }
0x28: {  	_ =	swait.ge [sflag:s23], $0x1000  }
0x29: {  	[sflag:s23] =	ssyncset.done $0x0  }
0x2a: {  	[sflag:s23] =	ssyncadd.s32 $0xFFFFF000  }
0x2b: {  	_ =	swait.ge [sflag:s23], $0x1000  }
0x2c: {  	[sflag:s23] =	ssyncset.done $0x0  }
0x2d: {  	[sflag:s23] =	ssyncadd.s32 $0xFFFFF000  }
0x2e: {  	_ =	swait.ge [sflag:s23], $0x1000  }
0x2f: {  	[sflag:s23] =	ssyncset.done $0x0  }
0x30: {  	[sflag:s23] =	ssyncadd.s32 $0xFFFFF000  }
0x31: {  	_ =	swait.ge [sflag:s23], $0x1000  }
0x32: {  	[sflag:s23] =	ssyncset.done $0x0  }
0x33: {  	s25 =	ssub.s32 $0x2, s25;
	[sflag:s23] =	ssyncadd.s32 $0xFFFFF000  }
0x34: {  	s26 =	sshll.u32 s26, $0xB;
	s28 =	sshrl.u32 s25, $0x1;
	_ =	swait.ge [sflag:s23], $0x1000  }
0x35: {  	s26 =	sadd.s32 s26, s24;
	s28 =	ssub.s32 s25, s28;
	[sflag:s23] =	ssyncset.done $0x0  }
0x36: {  	s24 =	sadd.s32 $0x75200, s26;
	s31 =	smax.u32 s28, $0x1;
	[sflag:s23] =	ssyncadd.s32 $0xFFFFF000  }
0x37: {  	[hbm4b:s24+s2] =	stream.linear.scatter [tilespmem:s9], [sflag:$0x2], $0x4000, $0x38;
	[tilespmem:$0x8400] =	vst v63  }
0x38: {  	p0 =	sne.s32 s31, $0x1;
	_ =	swait.ge [sflag:s3], $0x4000  }
.Ltmp0:
0x39: {  	[sflag:s3] =	ssyncset.done $0x0;
	(pc) =	sbr.rel @!p0 .LBB2_2-.Ltmp0, $4  }
0x3a: {  	s25 =	sadd.s32 $0x65200, s26;
	[sflag:s3] =	ssyncadd.s32 $0xFFFFC000  }
0x3b: {  	[hbm4b:s25+s2] =	stream.linear.scatter [tilespmem:s11], [sflag:$0x2], $0x4000, $0x38;
	[tilespmem:$0x8400] =	vst v63  }
0x3c: {  	_ =	swait.ge [sflag:s3], $0x4000  }
0x3d: {  	s26 =	sadd.s32 $0xFFFFFFFF, s31;
	[sflag:s3] =	ssyncset.done $0x0  }
.LBB2_1:
0x3e: {  	p0 =	sne.s32 s26, $0x1;
	s26 =	sadd.s32 $0xFFFFFFFF, s26;
	[sflag:s3] =	ssyncadd.s32 $0xFFFFC000  }
0x3f: {  	[tilespmem:s2], [sflag:$0x2] =	stream.linear.gather [hbm4b:s4+s2], $0x200, $0x38;
	[tilespmem:$0x8400] =	vst v63  }
0x40: {  	_ =	swait.ge [sflag:s3], $0x200  }
0x41: {  	[sflag:s3] =	ssyncset.done $0x0  }
0x42: {  	[sflag:s3] =	ssyncadd.s32 $0xFFFFFE00  }
0x43: {  	[tilespmem:s6], [sflag:$0x2] =	stream.linear.gather [hbm4b:s5+s2], $0x200, $0x38;
	[tilespmem:$0x8400] =	vst v63  }
0x44: {  	_ =	swait.ge [sflag:s3], $0x200  }
0x45: {  	[sflag:s3] =	ssyncset.done $0x0  }
0x46: {  	[sflag:s3] =	ssyncadd.s32 $0xFFFFFE00  }
0x47: {  	[tilespmem:s9], [sflag:$0x1] =	stream.indirect.gather [hbm4b:s7+s8], $0x20, s2, s8, $0xb8;
	[tilespmem:$0x8400] =	vst v63  }
0x48: {  	_ = 	snop  }
0x49: {  	[tilespmem:s11], [sflag:$0x1] =	stream.indirect.gather [hbm4b:s10+s8], $0x20, s6, s8, $0xb8;
	[tilespmem:$0x8400] =	vst v63  }
0x4a: {  	_ = 	snop  }
0x4b: {  	[tilespmem:s12], [sflag:$0x1] =	stream.indirect.gather [hbm4b:s7+s8], $0x20, s8, s8, $0xb8;
	[tilespmem:$0x8400] =	vst v63  }
0x4c: {  	_ = 	snop  }
0x4d: {  	[tilespmem:s14], [sflag:$0x1] =	stream.indirect.gather [hbm4b:s10+s8], $0x20, s13, s8, $0xb8;
	[tilespmem:$0x8400] =	vst v63  }
0x4e: {  	_ = 	snop  }
0x4f: {  	[tilespmem:s16], [sflag:$0x1] =	stream.indirect.gather [hbm4b:s7+s8], $0x20, s15, s8, $0xb8;
	[tilespmem:$0x8400] =	vst v63  }
0x50: {  	_ = 	snop  }
0x51: {  	[tilespmem:s18], [sflag:$0x1] =	stream.indirect.gather [hbm4b:s10+s8], $0x20, s17, s8, $0xb8;
	[tilespmem:$0x8400] =	vst v63  }
0x52: {  	_ = 	snop  }
0x53: {  	[tilespmem:s20], [sflag:$0x1] =	stream.indirect.gather [hbm4b:s7+s8], $0x20, s19, s8, $0xb8;
	[tilespmem:$0x8400] =	vst v63  }
0x54: {  	_ = 	snop  }
0x55: {  	[tilespmem:s22], [sflag:$0x1] =	stream.indirect.gather [hbm4b:s10+s8], $0x20, s21, s8, $0xb8;
	[tilespmem:$0x8400] =	vst v63  }
0x56: {  	_ =	swait.ge [sflag:s23], $0x1000  }
0x57: {  	[sflag:s23] =	ssyncset.done $0x0  }
0x58: {  	[sflag:s23] =	ssyncadd.s32 $0xFFFFF000  }
0x59: {  	_ =	swait.ge [sflag:s23], $0x1000  }
0x5a: {  	[sflag:s23] =	ssyncset.done $0x0  }
0x5b: {  	[sflag:s23] =	ssyncadd.s32 $0xFFFFF000  }
0x5c: {  	_ =	swait.ge [sflag:s23], $0x1000  }
0x5d: {  	[sflag:s23] =	ssyncset.done $0x0  }
0x5e: {  	[sflag:s23] =	ssyncadd.s32 $0xFFFFF000  }
0x5f: {  	_ =	swait.ge [sflag:s23], $0x1000  }
0x60: {  	[sflag:s23] =	ssyncset.done $0x0  }
0x61: {  	[sflag:s23] =	ssyncadd.s32 $0xFFFFF000  }
0x62: {  	_ =	swait.ge [sflag:s23], $0x1000  }
0x63: {  	[sflag:s23] =	ssyncset.done $0x0  }
0x64: {  	[sflag:s23] =	ssyncadd.s32 $0xFFFFF000  }
0x65: {  	_ =	swait.ge [sflag:s23], $0x1000  }
0x66: {  	[sflag:s23] =	ssyncset.done $0x0  }
0x67: {  	[sflag:s23] =	ssyncadd.s32 $0xFFFFF000  }
0x68: {  	_ =	swait.ge [sflag:s23], $0x1000  }
0x69: {  	[sflag:s23] =	ssyncset.done $0x0  }
0x6a: {  	[sflag:s23] =	ssyncadd.s32 $0xFFFFF000  }
0x6b: {  	_ =	swait.ge [sflag:s23], $0x1000  }
0x6c: {  	[sflag:s23] =	ssyncset.done $0x0  }
0x6d: {  	[sflag:s23] =	ssyncadd.s32 $0xFFFFF000  }
0x6e: {  	[hbm4b:s24+s2] =	stream.linear.scatter [tilespmem:s9], [sflag:$0x2], $0x4000, $0x38;
	[tilespmem:$0x8400] =	vst v63  }
0x6f: {  	_ =	swait.ge [sflag:s3], $0x4000  }
.Ltmp1:
0x70: {  	[sflag:s3] =	ssyncset.done $0x0;
	(pc) =	sbr.rel @p0 .LBB2_1-.Ltmp1, $4  }
0x71: {  	[sflag:s3] =	ssyncadd.s32 $0xFFFFC000  }
0x72: {  	[hbm4b:s25+s2] =	stream.linear.scatter [tilespmem:s11], [sflag:$0x2], $0x4000, $0x38;
	[tilespmem:$0x8400] =	vst v63  }
0x73: {  	_ =	swait.ge [sflag:s3], $0x4000  }
0x74: {  	[sflag:s3] =	ssyncset.done $0x0  }
.LBB2_2:
0x75: {  	[sflag:s3] =	ssyncadd.s32 $0xFFFFC000  }
0x76: {  	_ =	sfence.sel $0x180000  }
0x77: {  	[bflag:$0x0] =	sbarrier.arrive $0xFFFF  }
0x78: {  	p0 =	sne.s32 s0, $0x0;
	_ =	strace $0x90000047  }
0x79: {  	s0 =	sadd.s32 @!p0 $0x100000, s1;
	[bflag:$0x2] =	sbarrier.arrive $0xFFFF  }
0x7a: {  	[sflag:s0] =	ssyncadd.tile.s32 @!p0 $0x1;
	_ =	shalt  }
.Lfunc_end2:
_tile_overlayer_lowered:
.L_overlay_start_2:
0x7b: {  	(tag) =	ssettag $0x2  }
0x7c: {  	s0 =	rddreg [dreg:$0x0];
	s2 =	stileid.u32  }
0x7d: {  	s1 =	rddreg [dreg:$0x1];
	p0 =	sne.s32 s2, $0x0  }
0x7e: {  	s3 =	rddreg [dreg:$0x2];
	[bflag:$0x3] =	sbarrier.arrive $0xFFFF;
	s2 =	simm.s32 @!p0 $0x1C02  }
0x7f: {  	[timem:s3], [sflag:s2] =	dma.local @!p0 [hbm:s0], s1  }
0x80: {  	s0 =	simm.s32 @!p0 $0x2  }
0x81: {  	_ =	swait.ge @!p0 [sflag:s0], s1  }
0x82: {  	s1 =	ssub.s32 @!p0 $0x0, s1;
	[sflag:s0] =	ssyncset.done @!p0 $0x0  }
0x83: {  	[sflag:s0] =	ssyncadd.s32 @!p0 s1  }
0x84: {  	[bflag:$0x3] =	sbarrier.arrive $0xFFFF  }
0x85: {  	_ =	shalt  }

// kernel: kernel.9.cloned.1.call-start
scs
__scs_entry_jumppad:
0x0: {  	(pc) =	sbr.rel $0x88, $3  }
0x1: {  	(tag) =	ssettag $0x0;
	lr =	simm.s32 $0x1  }
0x2: {  	[smem:$0x3F91] =	sst lr;
	_ =	strace $0xD0000000  }
0x3: {  	_ = 	snop  }
0x4: {  	_ = 	snop  }
0x5: {  	_ = 	snop  }
0x6: {  	_ = 	snop  }
0x7: {  	_ = 	snop  }
__scs_overlays_trampoline_lowered:
0x8: {  	[smem:$0x3FA0] =	sst s0  }
0x9: {  	[smem:$0x3FA1] =	sst s1  }
0xa: {  	[smem:$0x3FA2] =	sst s2  }
0xb: {  	[smem:$0x3FA3] =	sst s3  }
0xc: {  	[smem:$0x3FA4] =	sst s4  }
0xd: {  	[smem:$0x3FA5] =	sst s5  }
0xe: {  	[smem:$0x3FA6] =	sst s6  }
0xf: {  	[smem:$0x3FA7] =	sst s7  }
0x10: {  	[smem:$0x3FA8] =	sst s8  }
0x11: {  	[smem:$0x3FA9] =	sst s9;
	s0 =	simm.s32 @!p0 $0x0  }
0x12: {  	s1 =	sld [smem:$0x3F8F];
	s0 =	simm.s32 @p0 $0x1  }
0x13: {  	[smem:$0x3FAA] =	sst s0;
	s0 =	simm.s32 @!p1 $0x0  }
0x14: {  	s2 =	sld [smem:$0x3F8E];
	s0 =	simm.s32 @p1 $0x1  }
0x15: {  	[smem:$0x3FAB] =	sst s0;
	s0 =	simm.s32 @!p2 $0x0  }
0x16: {  	s3 =	sld [smem:$0x3FDB];
	s0 =	simm.s32 @p2 $0x1  }
0x17: {  	s4 =	simm.s32 $0x1BF5;
	[smem:$0x3FAD] =	sst s0  }
0x18: {  	s0 =	sld [smem:$0x3F90];
	_ =	swait.ge [sflag:s4], $0x0  }
0x19: {  	s7 =	sld [smem:$0x3F91]  }
0x1a: {  	s8 =	sadd.s32 $0xFFFFE003, lr  }
0x1b: {  	s9 =	sadd.s32 $0xFFFFFEF7, lr;
	s5 =	simm.s32 $0xFFFFFFFF;
	p2 =	slt.u32 s8, $0xFFFFF086  }
0x1c: {  	p1 =	slt.u32 s9, $0xF7A;
	s5 =	simm.s32 @!p2 $0x0  }
0x1d: {  	s5 =	simm.s32 @p1 $0x1;
	p0 =	seq.s32 s7, s2  }
0x1e: {  	s7 =	smul.u32 @!p0 $0xF7A, s2;
	p2 =	seq.s32 @!p0 s5, $0x0  }
0x1f: {  	s9 =	smul.u32 $0xF7A, s1;
	s8 =	simm.s32 @!p0 $0x1BF5;
	p2 =	por !p2, p0  }
0x20: {  	[sflag:s8] =	ssyncset.s32 @!p0 $0xFFFFF086;
	s6 =	sadd.s32 @!p0 s3, s7;
	s7 =	simm.s32 @!p0 $0x108  }
0x21: {  	s3 =	sadd.s32 s3, s9;
	s6 =	sadd.s32 @!p0 $0x88, s6;
	s7 =	simm.s32 @p2 $0x1082  }
0x22: {  	[simem:s7], [sflag:s8] =	dma.local @!p0 [hbm:s6], $0xF7A  }
0x23: {  	s9 =	sor.u32 $0xD0000000, s2;
	s6 =	simm.s32 $0x108;
	_ =	swait.ge @!p0 [sflag:s8], $0x0  }
0x24: {  	s3 =	sadd.s32 $0x88, s3;
	s6 =	simm.s32 @!p1 $0x1082;
	[sflag:s4] =	ssyncset.s32 $0xFFFFF086  }
0x25: {  	[simem:s6], [sflag:s4] =	dma.local [hbm:s3], $0xF7A  }
0x26: {  	[smem:$0x3F91] =	sst s1;
	(tag) =	ssettag s2;
	_ =	strace s9  }
0x27: {  	s1 =	sld [smem:$0x3FA1]  }
0x28: {  	s2 =	sld [smem:$0x3FA2]  }
0x29: {  	s4 =	sld [smem:$0x3FA4]  }
0x2a: {  	p0 =	seq.s32 s5, $0x0;
	s5 =	sld [smem:$0x3FA5]  }
0x2b: {  	s6 =	sld [smem:$0x3FA6]  }
0x2c: {  	s7 =	sld [smem:$0x3FA7]  }
0x2d: {  	s3 =	simm.s32 $0x108;
	s8 =	sld [smem:$0x3FA8]  }
0x2e: {  	s3 =	simm.s32 @!p0 $0x1082;
	s9 =	sld [smem:$0x3FA9]  }
0x2f: {  	lr =	sadd.s32 s0, s3;
	s0 =	sld [smem:$0x3FA0]  }
0x30: {  	s3 =	sld [smem:$0x3FA3]  }
0x31: {  	[smem:$0x3FAC] =	sst s10  }
0x32: {  	s10 =	sld [smem:$0x3FAA];
	_ =	sdelay $0x3  }
0x33: {  	p0 =	seq.s32 s10, $0x1;
	s10 =	sld [smem:$0x3FAC];
	_ =	sdelay $0x3  }
0x34: {  	[smem:$0x3FAC] =	sst s10  }
0x35: {  	s10 =	sld [smem:$0x3FAB];
	_ =	sdelay $0x3  }
0x36: {  	p1 =	seq.s32 s10, $0x1;
	s10 =	sld [smem:$0x3FAC];
	_ =	sdelay $0x3  }
0x37: {  	[smem:$0x3FAC] =	sst s10  }
0x38: {  	s10 =	sld [smem:$0x3FAD]  }
0x39: {  	_ = 	snop;
	(pc) =	sbr.ind lr, $3  }
0x3a: {  	_ = 	snop  }
0x3b: {  	_ = 	snop  }
0x3c: {  	p2 =	seq.s32 s10, $0x1;
	s10 =	sld [smem:$0x3FAC]  }
0x3d: {  	_ =	shalt  }
0x3e: {  	_ =	shalt  }
0x3f: {  	_ =	shalt  }
0x40: {  	_ =	shalt  }
0x41: {  	_ =	shalt  }
0x42: {  	_ =	shalt  }
0x43: {  	_ =	shalt  }
0x44: {  	_ =	shalt  }
0x45: {  	_ =	shalt  }
0x46: {  	_ =	shalt  }
0x47: {  	_ =	shalt  }
0x48: {  	_ =	shalt  }
0x49: {  	_ =	shalt  }
0x4a: {  	_ =	shalt  }
0x4b: {  	_ =	shalt  }
0x4c: {  	_ =	shalt  }
0x4d: {  	_ =	shalt  }
0x4e: {  	_ =	shalt  }
0x4f: {  	_ =	shalt  }
0x50: {  	_ =	shalt  }
0x51: {  	_ =	shalt  }
0x52: {  	_ =	shalt  }
0x53: {  	_ =	shalt  }
0x54: {  	_ =	shalt  }
0x55: {  	_ =	shalt  }
0x56: {  	_ =	shalt  }
0x57: {  	_ =	shalt  }
0x58: {  	_ =	shalt  }
0x59: {  	_ =	shalt  }
0x5a: {  	_ =	shalt  }
0x5b: {  	_ =	shalt  }
0x5c: {  	_ =	shalt  }
0x5d: {  	_ =	shalt  }
0x5e: {  	_ =	shalt  }
0x5f: {  	_ =	shalt  }
0x60: {  	_ =	shalt  }
0x61: {  	_ =	shalt  }
0x62: {  	_ =	shalt  }
0x63: {  	_ =	shalt  }
0x64: {  	_ =	shalt  }
0x65: {  	_ =	shalt  }
0x66: {  	_ =	shalt  }
0x67: {  	_ =	shalt  }
0x68: {  	_ =	shalt  }
0x69: {  	_ =	shalt  }
0x6a: {  	_ =	shalt  }
0x6b: {  	_ =	shalt  }
0x6c: {  	_ =	shalt  }
0x6d: {  	_ =	shalt  }
0x6e: {  	_ =	shalt  }
0x6f: {  	_ =	shalt  }
0x70: {  	_ =	shalt  }
0x71: {  	_ =	shalt  }
0x72: {  	_ =	shalt  }
0x73: {  	_ =	shalt  }
0x74: {  	_ =	shalt  }
0x75: {  	_ =	shalt  }
0x76: {  	_ =	shalt  }
0x77: {  	_ =	shalt  }
0x78: {  	_ =	shalt  }
0x79: {  	_ =	shalt  }
0x7a: {  	_ =	shalt  }
0x7b: {  	_ =	shalt  }
0x7c: {  	_ =	shalt  }
0x7d: {  	_ =	shalt  }
0x7e: {  	_ =	shalt  }
0x7f: {  	_ =	shalt  }
0x80: {  	_ =	shalt  }
0x81: {  	_ =	shalt  }
0x82: {  	_ =	shalt  }
0x83: {  	_ =	shalt  }
0x84: {  	_ =	shalt  }
0x85: {  	_ =	shalt  }
0x86: {  	_ =	shalt  }
0x87: {  	_ =	shalt  }
.Lfunc_end0:
.L_simem_size_0:
called_computation_lowered:
.L_overlay_start_0:
0x88: {  	s2 =	sld [smem:$0x3FD9]  }
0x89: {  	s3 =	sld [smem:$0x3FFE];
	_ =	sdelay $0x1  }
0x8a: {  	s1 =	srdreg.scid  }
0x8b: {  	s0 =	sand.u32 $0x1, s1  }
0x8c: {  	s17 =	sshll.u32 s0, $0xA;
	s2 =	sadd.s32 s3, s2  }
0x8d: {  	s2 =	sadd.s32 s2, s17  }
0x8e: {  	[smem:$0x3FB8] =	sst s2  }
0x8f: {  	_ = 	snop  }
0x90: {  	s18 =	sld [smem:$0x3FC7]  }
0x91: {  	s4 =	sld [smem:$0x3FC6];
	(tm) =	ssettm $0x1  }
0x92: {  	s19 =	sld [smem:$0x3FFB];
	_ =	sdelay $0x3  }
0x93: {  	_ =	strace s19  }
0x94: {  	s2 =	sld [smem:$0x3FFC];
	_ =	sdelay $0x3  }
0x95: {  	_ =	strace s2  }
0x96: {  	s2 =	sld [smem:$0x3FFD];
	_ =	sdelay $0x3  }
0x97: {  	_ =	strace s2  }
0x98: {  	_ =	strace $0x8FFFFFFF  }
0x99: {  	s20 =	sld [smem:$0x3FDB];
	_ =	sdelay $0x1  }
0x9a: {  	s5 =	simm.s32 $_scs_section_size  }
0x9b: {  	s6 =	simm.s32 $_size__tile_overlayer_lowered;
	s7 =	simm.s32 $_tile_overlayer_lowered  }
0x9c: {  	s8 =	simm.s32 $0x1BFF;
	s21 =	sshll.u32 s7, $0x1;
	s5 =	sadd.s32 s5, s20  }
0x9d: {  	s22 =	simm.s32 $0x0;
	s6 =	sshll.u32 s6, $0x1;
	s7 =	sadd.s32 s21, s5  }
0x9e: {  	[timem:s22], [sflag:s8] =	dma.local [hbm:s7], s6  }
0x9f: {  	_ =	swait.ge [sflag:s8], s6  }
0xa0: {  	s6 =	ssub.s32 $0x0, s6;
	[sflag:s8] =	ssyncset.done $0x0  }
0xa1: {  	[sflag:s8] =	ssyncadd.s32 s6;
	_ =	sdelay $0x1  }
0xa2: {  	s23 =	simm.s32 $0x1B8B  }
0xa3: {  	_ =	swait.ge [sflag:s23], $0x1  }
0xa4: {  	[sflag:s23] =	ssyncset.done $0x0  }
0xa5: {  	[sflag:s23] =	ssyncadd.s32 $0xFFFFFFFF  }
0xa6: {  	s6 =	sld [smem:$0x0]  }
0xa7: {  	s7 =	sand.u32 $0xFFFFFFFE, s1  }
0xa8: {  	p0 =	sne.s32 s1, s7  }
0xa9: {  	s7 =	sshll.u32 @p0 s7, $0xE  }
0xaa: {  	s7 =	sadd.s32 @p0 $0x11B8D, s7;
	s8 =	sshll.u32 @p0 s6, $0x11  }
0xab: {  	s7 =	sor.u32 @p0 s8, s7  }
0xac: {  	[sflag:s7] =	ssyncadd.remote.s32 @p0 $0x1;
	_ =	sdelay $0x1  }
0xad: {  	s7 =	simm.s32 @p0 $0x1B8D  }
0xae: {  	_ =	swait.eq @p0 [sflag:s7], $0x1  }
0xaf: {  	[sflag:s7] =	ssyncadd.s32 @p0 $0xFFFFFFFF  }
0xb0: {  	s8 =	sshll.u32 @!p0 s1, $0xE  }
0xb1: {  	s8 =	sor.u32 @!p0 $0x4000, s8;
	s7 =	simm.s32 @!p0 $0x1B8D  }
0xb2: {  	s6 =	sshll.u32 @!p0 s6, $0x11;
	s8 =	sadd.s32 @!p0 $0x11B8D, s8;
	_ =	swait.eq @!p0 [sflag:s7], $0x1  }
0xb3: {  	s6 =	sor.u32 @!p0 s6, s8;
	[sflag:s7] =	ssyncadd.s32 @!p0 $0xFFFFFFFF  }
0xb4: {  	s25 =	simm.s32 $0x1B8E;
	s24 =	sld [smem:$0x3FFE];
	[sflag:s6] =	ssyncadd.remote.s32 @!p0 $0x1  }
0xb5: {  	s26 =	simm.s32 $execute0_lowered;
	[smem:$0x3FD2] =	sst s25  }
0xb6: {  	s7 =	sshll.u32 s26, $0x1;
	_ =	strace $0x8000004C;
	[dreg:$0x1] =	wrdreg $0xFFFFFFFF  }
0xb7: {  	s28 =	simm.s32 $_size_execute0_lowered;
	s5 =	sadd.s32 s5, s7;
	[dreg:$0x0] =	wrdreg $0x0  }
0xb8: {  	s7 =	sshll.u32 s28, $0x1;
	[dreg:$0x2] =	wrdreg s5  }
0xb9: {  	[dreg:$0x3] =	wrdreg s7  }
0xba: {  	[dreg:$0x4] =	wrdreg $0xC0  }
0xbb: {  	_ =	task [dreg:s22], $0x5FFFF  }
0xbc: {  	[dreg:$0x1] =	wrdreg $0xFFFFFFFF  }
0xbd: {  	[dreg:$0x0] =	wrdreg $0x60  }
0xbe: {  	[dreg:$0x2] =	wrdreg s24  }
0xbf: {  	[dreg:$0x3] =	wrdreg s18  }
0xc0: {  	[dreg:$0x4] =	wrdreg s4  }
0xc1: {  	[dreg:$0x5] =	wrdreg $0x9  }
0xc2: {  	_ =	task.clear_ibuf [dreg:s22], $0x6FFFF;
	_ =	strace $0x9000004C  }
0xc3: {  	s29 =	simm.s32 $0x9;
	_ =	strace $0x8000004E  }
0xc4: {  	_ =	swait.ge [sflag:s29], $0x1  }
0xc5: {  	[sflag:s29] =	ssyncadd.s32 $0xFFFFFFFF  }
0xc6: {  	_ =	strace $0x9000004E  }
0xc7: {  	_ =	sfence  }
0xc8: {  	s30 =	sld [smem:$0x0];
	_ =	sdelay $0x2  }
0xc9: {  	s31 =	sshll.u32 s1, $0xD;
	s1 =	sshrl.u32 s1, $0x2  }
0xca: {  	s4 =	sand.u32 $0x4000, s31;
	s1 =	sadd.s32 s1, s30  }
0xcb: {  	s0 =	sor.u32 s4, s0;
	s1 =	sshll.u32 s1, $0x11  }
0xcc: {  	s0 =	sor.u32 s1, s0  }
0xcd: {  	s0 =	sadd.s32 $0x8F2B, s0  }
0xce: {  	[sflag:s0] =	ssyncadd.remote.s32 $0x1  }
0xcf: {  	_ =	sfence.sel $0xFFFF  }
0xd0: {  	[dreg:$0x0] =	wrdreg $0xFFFFFFFF;
	(pc) =	sbr.abs _section_cstart, $3  }
0xd1: {  	[dreg:$0x1] =	wrdreg $0xFFFFFFFF  }
0xd2: {  	_ =	task.clear_ibuf [dreg:s22], $0x2FFFF;
	_ =	strace $0x9FFFFFFF  }
0xd3: {  	(tm) =	ssettm $0x7FFFFFFF  }
tec
execute0_lowered:
.L_overlay_start_1:
0x0: {  	(tag) =	ssettag $0x1  }
0x1: {  	s24 =	rddreg [dreg:$0x0]  }
0x2: {  	s3 =	rddreg [dreg:$0x1]  }
0x3: {  	s1 =	srdreg.scid;
	s0 =	stileid.u32  }
0x4: {  	s5 =	rddreg [dreg:$0x2];
	s25 =	sand.u32 $0x1, s1;
	s4 =	sshll.u32 s0, $0x1  }
0x5: {  	s2 =	simm.s32 $0x0;
	s1 =	rddreg [dreg:$0x3];
	s26 =	sor.u32 s25, s4  }
0x6: {  	[smem:$0x7FF] =	sst s2;
	s6 =	sshll.u32 s26, $0x6  }
0x7: {  	_ =	strace $0x8000004D;
	s4 =	sadd.s32 s3, s6;
	s3 =	simm.s32 $0x2  }
0x8: {  	[tilespmem:s2], [sflag:$0x2] =	stream.linear.gather [hbm4b:s4+s2], $0x200, $0x38;
	[tilespmem:$0x8400] =	vst v63  }
0x9: {  	_ =	swait.ge [sflag:s3], $0x200  }
0xa: {  	[sflag:s3] =	ssyncset.done $0x0  }
0xb: {  	s5 =	sadd.s32 s5, s6;
	s6 =	simm.s32 $0x200;
	[sflag:s3] =	ssyncadd.s32 $0xFFFFFE00  }
0xc: {  	[tilespmem:s6], [sflag:$0x2] =	stream.linear.gather [hbm4b:s5+s2], $0x200, $0x38;
	[tilespmem:$0x8400] =	vst v63  }
0xd: {  	_ =	swait.ge [sflag:s3], $0x200  }
0xe: {  	s8 =	simm.s32 $0x80;
	[sflag:s3] =	ssyncset.done $0x0  }
0xf: {  	s9 =	simm.s32 $0x400;
	s7 =	sadd.s32 $0x3200, s24;
	[sflag:s3] =	ssyncadd.s32 $0xFFFFFE00  }
0x10: {  	[tilespmem:s9], [sflag:$0x1] =	stream.indirect.gather [hbm4b:s7+s8], $0x20, s2, s8, $0xb8;
	[tilespmem:$0x8400] =	vst v63  }
0x11: {  	s11 =	simm.s32 $0x4400;
	s10 =	sadd.s32 $0xD000, s24  }
0x12: {  	[tilespmem:s11], [sflag:$0x1] =	stream.indirect.gather [hbm4b:s10+s8], $0x20, s6, s8, $0xb8;
	[tilespmem:$0x8400] =	vst v63  }
0x13: {  	s12 =	simm.s32 $0x1400  }
0x14: {  	[tilespmem:s12], [sflag:$0x1] =	stream.indirect.gather [hbm4b:s7+s8], $0x20, s8, s8, $0xb8;
	[tilespmem:$0x8400] =	vst v63  }
0x15: {  	s13 =	simm.s32 $0x280;
	s14 =	simm.s32 $0x5400  }
0x16: {  	[tilespmem:s14], [sflag:$0x1] =	stream.indirect.gather [hbm4b:s10+s8], $0x20, s13, s8, $0xb8;
	[tilespmem:$0x8400] =	vst v63  }
0x17: {  	s15 =	simm.s32 $0x100;
	s16 =	simm.s32 $0x2400  }
0x18: {  	[tilespmem:s16], [sflag:$0x1] =	stream.indirect.gather [hbm4b:s7+s8], $0x20, s15, s8, $0xb8;
	[tilespmem:$0x8400] =	vst v63  }
0x19: {  	s17 =	simm.s32 $0x300;
	s18 =	simm.s32 $0x6400  }
0x1a: {  	[tilespmem:s18], [sflag:$0x1] =	stream.indirect.gather [hbm4b:s10+s8], $0x20, s17, s8, $0xb8;
	[tilespmem:$0x8400] =	vst v63  }
0x1b: {  	s19 =	simm.s32 $0x180;
	s20 =	simm.s32 $0x3400  }
0x1c: {  	[tilespmem:s20], [sflag:$0x1] =	stream.indirect.gather [hbm4b:s7+s8], $0x20, s19, s8, $0xb8;
	[tilespmem:$0x8400] =	vst v63  }
0x1d: {  	s21 =	simm.s32 $0x380;
	s22 =	simm.s32 $0x7400;
	s23 =	simm.s32 $0x1  }
0x1e: {  	[tilespmem:s22], [sflag:$0x1] =	stream.indirect.gather [hbm4b:s10+s8], $0x20, s21, s8, $0xb8;
	[tilespmem:$0x8400] =	vst v63  }
0x1f: {  	_ =	swait.ge [sflag:s23], $0x1000  }
0x20: {  	[sflag:s23] =	ssyncset.done $0x0  }
0x21: {  	[sflag:s23] =	ssyncadd.s32 $0xFFFFF000  }
0x22: {  	_ =	swait.ge [sflag:s23], $0x1000  }
0x23: {  	[sflag:s23] =	ssyncset.done $0x0  }
0x24: {  	[sflag:s23] =	ssyncadd.s32 $0xFFFFF000  }
0x25: {  	_ =	swait.ge [sflag:s23], $0x1000  }
0x26: {  	[sflag:s23] =	ssyncset.done $0x0  }
0x27: {  	[sflag:s23] =	ssyncadd.s32 $0xFFFFF000  }
0x28: {  	_ =	swait.ge [sflag:s23], $0x1000  }
0x29: {  	[sflag:s23] =	ssyncset.done $0x0  }
0x2a: {  	[sflag:s23] =	ssyncadd.s32 $0xFFFFF000  }
0x2b: {  	_ =	swait.ge [sflag:s23], $0x1000  }
0x2c: {  	[sflag:s23] =	ssyncset.done $0x0  }
0x2d: {  	[sflag:s23] =	ssyncadd.s32 $0xFFFFF000  }
0x2e: {  	_ =	swait.ge [sflag:s23], $0x1000  }
0x2f: {  	[sflag:s23] =	ssyncset.done $0x0  }
0x30: {  	[sflag:s23] =	ssyncadd.s32 $0xFFFFF000  }
0x31: {  	_ =	swait.ge [sflag:s23], $0x1000  }
0x32: {  	[sflag:s23] =	ssyncset.done $0x0  }
0x33: {  	s25 =	ssub.s32 $0x2, s25;
	[sflag:s23] =	ssyncadd.s32 $0xFFFFF000  }
0x34: {  	s26 =	sshll.u32 s26, $0xB;
	s28 =	sshrl.u32 s25, $0x1;
	_ =	swait.ge [sflag:s23], $0x1000  }
0x35: {  	s26 =	sadd.s32 s26, s24;
	s28 =	ssub.s32 s25, s28;
	[sflag:s23] =	ssyncset.done $0x0  }
0x36: {  	s24 =	sadd.s32 $0x26E00, s26;
	s31 =	smax.u32 s28, $0x1;
	[sflag:s23] =	ssyncadd.s32 $0xFFFFF000  }
0x37: {  	[hbm4b:s24+s2] =	stream.linear.scatter [tilespmem:s9], [sflag:$0x2], $0x4000, $0x38;
	[tilespmem:$0x8400] =	vst v63  }
0x38: {  	p0 =	sne.s32 s31, $0x1;
	_ =	swait.ge [sflag:s3], $0x4000  }
.Ltmp0:
0x39: {  	[sflag:s3] =	ssyncset.done $0x0;
	(pc) =	sbr.rel @!p0 .LBB2_2-.Ltmp0, $4  }
0x3a: {  	s25 =	sadd.s32 $0x16E00, s26;
	[sflag:s3] =	ssyncadd.s32 $0xFFFFC000  }
0x3b: {  	[hbm4b:s25+s2] =	stream.linear.scatter [tilespmem:s11], [sflag:$0x2], $0x4000, $0x38;
	[tilespmem:$0x8400] =	vst v63  }
0x3c: {  	_ =	swait.ge [sflag:s3], $0x4000  }
0x3d: {  	s26 =	sadd.s32 $0xFFFFFFFF, s31;
	[sflag:s3] =	ssyncset.done $0x0  }
.LBB2_1:
0x3e: {  	p0 =	sne.s32 s26, $0x1;
	s26 =	sadd.s32 $0xFFFFFFFF, s26;
	[sflag:s3] =	ssyncadd.s32 $0xFFFFC000  }
0x3f: {  	[tilespmem:s2], [sflag:$0x2] =	stream.linear.gather [hbm4b:s4+s2], $0x200, $0x38;
	[tilespmem:$0x8400] =	vst v63  }
0x40: {  	_ =	swait.ge [sflag:s3], $0x200  }
0x41: {  	[sflag:s3] =	ssyncset.done $0x0  }
0x42: {  	[sflag:s3] =	ssyncadd.s32 $0xFFFFFE00  }
0x43: {  	[tilespmem:s6], [sflag:$0x2] =	stream.linear.gather [hbm4b:s5+s2], $0x200, $0x38;
	[tilespmem:$0x8400] =	vst v63  }
0x44: {  	_ =	swait.ge [sflag:s3], $0x200  }
0x45: {  	[sflag:s3] =	ssyncset.done $0x0  }
0x46: {  	[sflag:s3] =	ssyncadd.s32 $0xFFFFFE00  }
0x47: {  	[tilespmem:s9], [sflag:$0x1] =	stream.indirect.gather [hbm4b:s7+s8], $0x20, s2, s8, $0xb8;
	[tilespmem:$0x8400] =	vst v63  }
0x48: {  	_ = 	snop  }
0x49: {  	[tilespmem:s11], [sflag:$0x1] =	stream.indirect.gather [hbm4b:s10+s8], $0x20, s6, s8, $0xb8;
	[tilespmem:$0x8400] =	vst v63  }
0x4a: {  	_ = 	snop  }
0x4b: {  	[tilespmem:s12], [sflag:$0x1] =	stream.indirect.gather [hbm4b:s7+s8], $0x20, s8, s8, $0xb8;
	[tilespmem:$0x8400] =	vst v63  }
0x4c: {  	_ = 	snop  }
0x4d: {  	[tilespmem:s14], [sflag:$0x1] =	stream.indirect.gather [hbm4b:s10+s8], $0x20, s13, s8, $0xb8;
	[tilespmem:$0x8400] =	vst v63  }
0x4e: {  	_ = 	snop  }
0x4f: {  	[tilespmem:s16], [sflag:$0x1] =	stream.indirect.gather [hbm4b:s7+s8], $0x20, s15, s8, $0xb8;
	[tilespmem:$0x8400] =	vst v63  }
0x50: {  	_ = 	snop  }
0x51: {  	[tilespmem:s18], [sflag:$0x1] =	stream.indirect.gather [hbm4b:s10+s8], $0x20, s17, s8, $0xb8;
	[tilespmem:$0x8400] =	vst v63  }
0x52: {  	_ = 	snop  }
0x53: {  	[tilespmem:s20], [sflag:$0x1] =	stream.indirect.gather [hbm4b:s7+s8], $0x20, s19, s8, $0xb8;
	[tilespmem:$0x8400] =	vst v63  }
0x54: {  	_ = 	snop  }
0x55: {  	[tilespmem:s22], [sflag:$0x1] =	stream.indirect.gather [hbm4b:s10+s8], $0x20, s21, s8, $0xb8;
	[tilespmem:$0x8400] =	vst v63  }
0x56: {  	_ =	swait.ge [sflag:s23], $0x1000  }
0x57: {  	[sflag:s23] =	ssyncset.done $0x0  }
0x58: {  	[sflag:s23] =	ssyncadd.s32 $0xFFFFF000  }
0x59: {  	_ =	swait.ge [sflag:s23], $0x1000  }
0x5a: {  	[sflag:s23] =	ssyncset.done $0x0  }
0x5b: {  	[sflag:s23] =	ssyncadd.s32 $0xFFFFF000  }
0x5c: {  	_ =	swait.ge [sflag:s23], $0x1000  }
0x5d: {  	[sflag:s23] =	ssyncset.done $0x0  }
0x5e: {  	[sflag:s23] =	ssyncadd.s32 $0xFFFFF000  }
0x5f: {  	_ =	swait.ge [sflag:s23], $0x1000  }
0x60: {  	[sflag:s23] =	ssyncset.done $0x0  }
0x61: {  	[sflag:s23] =	ssyncadd.s32 $0xFFFFF000  }
0x62: {  	_ =	swait.ge [sflag:s23], $0x1000  }
0x63: {  	[sflag:s23] =	ssyncset.done $0x0  }
0x64: {  	[sflag:s23] =	ssyncadd.s32 $0xFFFFF000  }
0x65: {  	_ =	swait.ge [sflag:s23], $0x1000  }
0x66: {  	[sflag:s23] =	ssyncset.done $0x0  }
0x67: {  	[sflag:s23] =	ssyncadd.s32 $0xFFFFF000  }
0x68: {  	_ =	swait.ge [sflag:s23], $0x1000  }
0x69: {  	[sflag:s23] =	ssyncset.done $0x0  }
0x6a: {  	[sflag:s23] =	ssyncadd.s32 $0xFFFFF000  }
0x6b: {  	_ =	swait.ge [sflag:s23], $0x1000  }
0x6c: {  	[sflag:s23] =	ssyncset.done $0x0  }
0x6d: {  	[sflag:s23] =	ssyncadd.s32 $0xFFFFF000  }
0x6e: {  	[hbm4b:s24+s2] =	stream.linear.scatter [tilespmem:s9], [sflag:$0x2], $0x4000, $0x38;
	[tilespmem:$0x8400] =	vst v63  }
0x6f: {  	_ =	swait.ge [sflag:s3], $0x4000  }
.Ltmp1:
0x70: {  	[sflag:s3] =	ssyncset.done $0x0;
	(pc) =	sbr.rel @p0 .LBB2_1-.Ltmp1, $4  }
0x71: {  	[sflag:s3] =	ssyncadd.s32 $0xFFFFC000  }
0x72: {  	[hbm4b:s25+s2] =	stream.linear.scatter [tilespmem:s11], [sflag:$0x2], $0x4000, $0x38;
	[tilespmem:$0x8400] =	vst v63  }
0x73: {  	_ =	swait.ge [sflag:s3], $0x4000  }
0x74: {  	[sflag:s3] =	ssyncset.done $0x0  }
.LBB2_2:
0x75: {  	[sflag:s3] =	ssyncadd.s32 $0xFFFFC000  }
0x76: {  	_ =	sfence.sel $0x180000  }
0x77: {  	[bflag:$0x0] =	sbarrier.arrive $0xFFFF  }
0x78: {  	p0 =	sne.s32 s0, $0x0;
	_ =	strace $0x9000004D  }
0x79: {  	s0 =	sadd.s32 @!p0 $0x100000, s1;
	[bflag:$0x2] =	sbarrier.arrive $0xFFFF  }
0x7a: {  	[sflag:s0] =	ssyncadd.tile.s32 @!p0 $0x1;
	_ =	shalt  }
.Lfunc_end2:
_tile_overlayer_lowered:
.L_overlay_start_2:
0x7b: {  	(tag) =	ssettag $0x2  }
0x7c: {  	s0 =	rddreg [dreg:$0x0];
	s2 =	stileid.u32  }
0x7d: {  	s1 =	rddreg [dreg:$0x1];
	p0 =	sne.s32 s2, $0x0  }
0x7e: {  	s3 =	rddreg [dreg:$0x2];
	[bflag:$0x3] =	sbarrier.arrive $0xFFFF;
	s2 =	simm.s32 @!p0 $0x1C02  }
0x7f: {  	[timem:s3], [sflag:s2] =	dma.local @!p0 [hbm:s0], s1  }
0x80: {  	s0 =	simm.s32 @!p0 $0x2  }
0x81: {  	_ =	swait.ge @!p0 [sflag:s0], s1  }
0x82: {  	s1 =	ssub.s32 @!p0 $0x0, s1;
	[sflag:s0] =	ssyncset.done @!p0 $0x0  }
0x83: {  	[sflag:s0] =	ssyncadd.s32 @!p0 s1  }
0x84: {  	[bflag:$0x3] =	sbarrier.arrive $0xFFFF  }
0x85: {  	_ =	shalt  }

</sc_bundles>
